<compile_context>
chip_gen: v7x
topology: tpu7x:2x2x1
jax: 0.10.2.dev20260603
libtpu: 0.0.44.dev20260713+nightly
codegen_flags: <defaults>
</compile_context>

<pallas_src>
import functools

import jax
import jax.numpy as jnp
from jax import lax
from jax.experimental import pallas as pl
from jax.experimental.pallas import tpu as pltpu
from jax.experimental.pallas import tpu_sc as plsc

N = 100000
E = 6400000
G = 64
H = 32
C = 16

NC, NS = 2, 16
NW = NC * NS

NPAD = 102400
HALF = NPAD // 2
RPS = HALF // NS
SROWS = 1600
EB = 2000
EPW = E // NW
EPS = E // NS

BLK2 = 4096
NB2 = NPAD // BLK2
PBLK = 2048
PNB = NPAD // PBLK


def _sc_mesh():
    return plsc.VectorSubcoreMesh(core_axis_name="c", subcore_axis_name="s")



def _deg_pallas(dst, ones_eb, zeros_1d):
    @functools.partial(
        pl.kernel,
        out_type=jax.ShapeDtypeStruct((NW, NPAD // NS), jnp.float32),
        mesh=_sc_mesh(),
        compiler_params=pltpu.CompilerParams(use_tc_tiling_on_sc=False),
        scratch_types=[
            pltpu.VMEM((EB,), jnp.int32),
            pltpu.VMEM((EB,), jnp.float32),
            pltpu.VMEM((NPAD // NS,), jnp.float32),
            pltpu.VMEM_SHARED((NPAD,), jnp.float32),
        ],
    )
    def body(dst_hbm, ones_hbm, zeros_hbm, out_hbm, didx_v, ones_v, stage_v, acc_sh):
        c = lax.axis_index("c")
        s = lax.axis_index("s")
        w = s * NC + c
        zrows = NPAD // NS
        r0 = s * zrows
        pltpu.sync_copy(zeros_hbm, stage_v)
        pltpu.sync_copy(stage_v, acc_sh.at[pl.ds(r0, zrows)])
        plsc.subcore_barrier()
        pltpu.sync_copy(ones_hbm, ones_v)

        def step(i, carry):
            base = w * EPW + i * EB
            pltpu.sync_copy(dst_hbm.at[pl.ds(base, EB)], didx_v)
            pltpu.sync_copy(ones_v, acc_sh.at[didx_v], add=True)
            return carry

        lax.fori_loop(0, EPW // EB, step, 0)
        plsc.subcore_barrier()
        pltpu.sync_copy(acc_sh.at[pl.ds(r0, zrows)], stage_v)
        pltpu.sync_copy(stage_v, out_hbm.at[c * NS + s])

    return body(dst, ones_eb, zeros_1d)



def _filter_chunk(sidx_v, didx_v, fsidx_v, fdidx_v, lo, hi):

    def fstep(k, carry):
        o = pl.multiple_of(k * 16, 16)
        sl = sidx_v[pl.ds(o, 16)]
        dl = didx_v[pl.ds(o, 16)]
        m = (dl >= lo) & (dl < hi)
        fsidx_v[pl.ds(o, 16)] = jnp.where(m, sl, -1)
        fdidx_v[pl.ds(o, 16)] = jnp.where(m, dl - lo, -1)
        return carry

    lax.fori_loop(0, EB // 16, fstep, 0)


def _scatter_rows(tables):
    nj = RPS // SROWS
    out_ty = jax.ShapeDtypeStruct(
        (tables * NC * NS * nj, SROWS, C), jnp.float32)

    @functools.partial(
        pl.kernel,
        out_type=out_ty,
        mesh=_sc_mesh(),
        compiler_params=pltpu.CompilerParams(use_tc_tiling_on_sc=False),
        scratch_types=[
            pltpu.VMEM((EB,), jnp.int32),
            pltpu.VMEM((EB,), jnp.int32),
            pltpu.VMEM((EB,), jnp.int32),
            pltpu.VMEM((EB,), jnp.int32),
            pltpu.VMEM((EB, C), jnp.float32),
            pltpu.VMEM((SROWS, C), jnp.float32),
            pltpu.VMEM_SHARED((HALF, C), jnp.float32),
        ],
    )
    def body(src_hbm, dst_hbm, y_hbm, zeros_hbm, out_hbm,
             sidx_v, didx_v, fsidx_v, fdidx_v, rows_v, stage_v, acc_sh):
        c = lax.axis_index("c")
        s = lax.axis_index("s")
        lo = c * HALF
        hi = lo + HALF
        pltpu.sync_copy(zeros_hbm, stage_v)

        for t in range(tables):
            table = y_hbm if tables == 1 else y_hbm.at[t]
            for j in range(RPS // SROWS):
                pltpu.sync_copy(
                    stage_v, acc_sh.at[pl.ds(s * RPS + j * SROWS, SROWS)])
            plsc.subcore_barrier()

            def step(i, carry):
                base = s * EPS + i * EB
                pltpu.sync_copy(src_hbm.at[pl.ds(base, EB)], sidx_v)
                pltpu.sync_copy(dst_hbm.at[pl.ds(base, EB)], didx_v)
                _filter_chunk(sidx_v, didx_v, fsidx_v, fdidx_v, lo, hi)
                pltpu.sync_copy(
                    table.at[plsc.Indices(fsidx_v, ignored_value=-1)], rows_v)
                pltpu.sync_copy(
                    rows_v, acc_sh.at[plsc.Indices(fdidx_v, ignored_value=-1)],
                    add=True)
                return carry

            lax.fori_loop(0, EPS // EB, step, 0)
            plsc.subcore_barrier()
            for j in range(RPS // SROWS):
                r0 = s * RPS + j * SROWS
                pltpu.sync_copy(acc_sh.at[pl.ds(r0, SROWS)], stage_v)
                wo = ((t * NC + c) * NS + s) * (RPS // SROWS) + j
                pltpu.sync_copy(stage_v, out_hbm.at[wo])
            if t + 1 < tables:
                pltpu.sync_copy(zeros_hbm, stage_v)

    return body



def _mid0_kernel(degp_ref, x_ref, w1_ref, dis_ref, y1ch_ref):
    deg = degp_ref[0, :] + degp_ref[1, :] + 1.0
    r = lax.rsqrt(deg)
    r = r * (1.5 - 0.5 * deg * r * r)
    dis = r[:, None]
    dis_ref[...] = dis
    h1p = jnp.dot(x_ref[...], w1_ref[...], preferred_element_type=jnp.float32)
    y1 = dis * h1p
    y1ch_ref[0] = y1[:, :C]
    y1ch_ref[1] = y1[:, C:]


def _mid0(degp, x_pad, W1p):
    return pl.pallas_call(
        _mid0_kernel,
        grid=(NB2,),
        in_specs=[
            pl.BlockSpec((2, BLK2), lambda i: (0, i)),
            pl.BlockSpec((BLK2, C), lambda i: (i, 0)),
            pl.BlockSpec((C, H), lambda i: (0, 0)),
        ],
        out_specs=[
            pl.BlockSpec((BLK2, 1), lambda i: (i, 0)),
            pl.BlockSpec((2, BLK2, C), lambda i: (0, i, 0)),
        ],
        out_shape=[
            jax.ShapeDtypeStruct((NPAD, 1), jnp.float32),
            jax.ShapeDtypeStruct((NC, NPAD, C), jnp.float32),
        ],
    )(degp, x_pad, W1p)


def _mid1_kernel(s1ch_ref, y1ch_ref, dis_ref, w2_ref, b1_ref, y2ch_ref):
    m0 = s1ch_ref[0] + y1ch_ref[0]
    m1 = s1ch_ref[1] + y1ch_ref[1]
    t = jnp.concatenate([m0, m1], axis=1) * dis_ref[...]
    h1 = jnp.maximum(t + b1_ref[...], 0.0)
    h2p = jnp.dot(h1, w2_ref[...], preferred_element_type=jnp.float32)
    y2 = dis_ref[...] * h2p
    y2ch_ref[0] = y2[:, :C]
    y2ch_ref[1] = y2[:, C:]


def _mid1(s1ch, y1ch, dis, W2, b1):
    return pl.pallas_call(
        _mid1_kernel,
        grid=(NB2,),
        in_specs=[
            pl.BlockSpec((2, BLK2, C), lambda i: (0, i, 0)),
            pl.BlockSpec((2, BLK2, C), lambda i: (0, i, 0)),
            pl.BlockSpec((BLK2, 1), lambda i: (i, 0)),
            pl.BlockSpec((H, H), lambda i: (0, 0)),
            pl.BlockSpec((1, H), lambda i: (0, 0)),
        ],
        out_specs=pl.BlockSpec((2, BLK2, C), lambda i: (0, i, 0)),
        out_shape=jax.ShapeDtypeStruct((NC, NPAD, C), jnp.float32),
    )(s1ch, y1ch, dis, W2, b1.reshape(1, H))


def _final_kernel(s2ch_ref, y2ch_ref, dis_ref, b2_ref, batch_ref,
                  wlin_ref, blin_ref, out_ref, acc_sum, acc_cnt):
    i = pl.program_id(0)

    @pl.when(i == 0)
    def _init():
        acc_sum[...] = jnp.zeros_like(acc_sum)
        acc_cnt[...] = jnp.zeros_like(acc_cnt)

    m0 = s2ch_ref[0] + y2ch_ref[0]
    m1 = s2ch_ref[1] + y2ch_ref[1]
    t2 = jnp.concatenate([m0, m1], axis=1) * dis_ref[...]
    h2 = jnp.maximum(t2 + b2_ref[...], 0.0)

    b = batch_ref[...]
    seg = lax.broadcasted_iota(jnp.int32, (PBLK, G), 1)
    onehot = (b == seg).astype(jnp.float32)
    dn = (((0,), (0,)), ((), ()))
    acc_sum[...] += lax.dot_general(onehot, h2, dn,
                                    preferred_element_type=jnp.float32,
                                    precision=lax.Precision.HIGHEST)
    ones = jnp.ones((PBLK, 1), dtype=jnp.float32)
    acc_cnt[...] += lax.dot_general(onehot, ones, dn,
                                    preferred_element_type=jnp.float32,
                                    precision=lax.Precision.HIGHEST)

    @pl.when(i == PNB - 1)
    def _emit():
        pooled = acc_sum[...] / jnp.maximum(acc_cnt[...], 1.0)
        out_ref[...] = (
            jnp.dot(pooled, wlin_ref[...], preferred_element_type=jnp.float32)
            + blin_ref[...]
        )


def _final(s2ch, y2ch, dis, b2, batch3, Wlin, blin):
    out = pl.pallas_call(
        _final_kernel,
        grid=(PNB,),
        in_specs=[
            pl.BlockSpec((2, PBLK, C), lambda i: (0, i, 0)),
            pl.BlockSpec((2, PBLK, C), lambda i: (0, i, 0)),
            pl.BlockSpec((PBLK, 1), lambda i: (i, 0)),
            pl.BlockSpec((1, H), lambda i: (0, 0)),
            pl.BlockSpec((PBLK, 1), lambda i: (i, 0)),
            pl.BlockSpec((H, 1), lambda i: (0, 0)),
            pl.BlockSpec((1, 1), lambda i: (0, 0)),
        ],
        out_specs=pl.BlockSpec((G, 1), lambda i: (0, 0)),
        out_shape=jax.ShapeDtypeStruct((G, 1), jnp.float32),
        scratch_shapes=[
            pltpu.VMEM((G, H), jnp.float32),
            pltpu.VMEM((G, 1), jnp.float32),
        ],
    )(s2ch, y2ch, dis, b2.reshape(1, H), batch3, Wlin, blin.reshape(1, 1))
    return out[:, 0]



def kernel(x, edge_index, batch, W1, b1, W2, b2, Wlin, blin):
    src = edge_index[0]
    dst = edge_index[1]
    x_pad = jnp.pad(x, ((0, NPAD - N), (0, C - x.shape[1])))
    W1p = jnp.pad(W1, ((0, C - W1.shape[0]), (0, 0)))
    batch3 = jnp.pad(batch, (0, NPAD - N), constant_values=G).reshape(
        NPAD, 1)
    ones_eb = jnp.ones((EB,), dtype=jnp.float32)
    zeros_1d = jnp.zeros((NPAD // NS,), dtype=jnp.float32)
    zeros_2d = jnp.zeros((SROWS, C), dtype=jnp.float32)

    degj = jnp.zeros((NPAD,), jnp.float32).at[dst].add(1.0)
    degp = _deg_pallas(dst, ones_eb, zeros_1d).reshape(NC, NPAD)
    dis, y1ch = _mid0(degp, x_pad, W1p)
    s1ch = _scatter_rows(tables=2)(src, dst, y1ch, zeros_2d).reshape(
        NC, NPAD, C)
    y2ch = _mid1(s1ch, y1ch, dis, W2, b1)
    s2ch = _scatter_rows(tables=2)(src, dst, y2ch, zeros_2d).reshape(
        NC, NPAD, C)
    return _final(s2ch, y2ch, dis, b2, batch3, Wlin, blin)

# --- scband reference (transcript-rebuilt; emitter-appended) ---
"""Pipeline reference for scband-import-gnn-29326036697815 (READ-ONLY COPY).

The authoritative reference and input builder live on the scoring server;
editing this copy changes nothing except your own understanding.
"""

import jax, jax.numpy as jnp
import numpy as np

N = 100000
E = 6400000
NUM_GRAPHS = 64
IN_CH = 10
HIDDEN = 32


def setup_inputs(seed: int = 0) -> dict:
    key = jax.random.key(seed)
    ks = jax.random.split(key, 10)
    x = jax.random.normal(ks[0], (N, IN_CH), dtype=jnp.float32)
    edge_index = jax.random.randint(ks[1], (2, E), 0, N, dtype=jnp.int32)
    batch = jnp.sort(jax.random.randint(ks[2], (N,), 0, NUM_GRAPHS, dtype=jnp.int32))
    # GCNConv parameters (weight [in, out], bias [out]) with glorot-like init
    W1 = jax.random.normal(ks[3], (IN_CH, HIDDEN), dtype=jnp.float32) * (1.0 / np.sqrt(IN_CH))
    b1 = jnp.zeros((HIDDEN,), dtype=jnp.float32)
    W2 = jax.random.normal(ks[4], (HIDDEN, HIDDEN), dtype=jnp.float32) * (1.0 / np.sqrt(HIDDEN))
    b2 = jnp.zeros((HIDDEN,), dtype=jnp.float32)
    Wlin = jax.random.normal(ks[5], (HIDDEN, 1), dtype=jnp.float32) * (1.0 / np.sqrt(HIDDEN))
    blin = jnp.zeros((1,), dtype=jnp.float32)
    return {"x": x, "edge_index": edge_index, "batch": batch,
            "W1": W1, "b1": b1, "W2": W2, "b2": b2, "Wlin": Wlin, "blin": blin}


def _gcn_conv(x, edge_index, W, b):
    # Faithful GCNConv: add self loops, symmetric normalization D^-1/2 (A+I) D^-1/2 X W + b
    src = edge_index[0]
    dst = edge_index[1]
    loop = jnp.arange(N, dtype=src.dtype)
    src = jnp.concatenate([src, loop])
    dst = jnp.concatenate([dst, loop])
    deg = jnp.zeros((N,), dtype=jnp.float32).at[dst].add(1.0)
    deg_inv_sqrt = jnp.where(deg > 0, jax.lax.rsqrt(jnp.maximum(deg, 1e-12)), 0.0)
    norm = deg_inv_sqrt[src] * deg_inv_sqrt[dst]
    h = x @ W
    msg = h[src] * norm[:, None]
    out = jnp.zeros((N, W.shape[1]), dtype=jnp.float32).at[dst].add(msg)
    return out + b


def reference(x, edge_index, batch, W1, b1, W2, b2, Wlin, blin):
    h = jax.nn.relu(_gcn_conv(x, edge_index, W1, b1))
    h = jax.nn.relu(_gcn_conv(h, edge_index, W2, b2))
    # global_mean_pool over batch segment ids
    sums = jax.ops.segment_sum(h, batch, num_segments=NUM_GRAPHS)
    cnts = jax.ops.segment_sum(jnp.ones((N,), dtype=jnp.float32), batch, num_segments=NUM_GRAPHS)
    pooled = sums / jnp.maximum(cnts, 1.0)[:, None]
    return (pooled @ Wlin + blin).squeeze(-1)

if __name__ == "__main__":
    import jax
    _d = setup_inputs()
    print(jax.jit(kernel)(*tuple(_d.values())))

</pallas_src>

<mosaic_0001>
#map = affine_map<(d0, d1) -> (0)>
#map1 = affine_map<(d0, d1) -> (0, 0)>
module attributes {stable_mosaic.version = 14 : i64} {
  func.func @body(%arg0: i32, %arg1: i32, %arg2: memref<6400000xi32, #tpu.memory_space<hbm>>, %arg3: memref<2000xf32, #tpu.memory_space<hbm>>, %arg4: memref<6400xf32, #tpu.memory_space<hbm>>, %arg5: memref<32x6400xf32, #tpu.memory_space<hbm>>, %arg6: memref<2000xi32, #tpu.memory_space<vmem>>, %arg7: memref<2000xf32, #tpu.memory_space<vmem>>, %arg8: memref<6400xf32, #tpu.memory_space<vmem>>, %arg9: memref<102400xf32, #tpu.memory_space<vmem_shared>>) attributes {dimension_semantics = [#tpu.dimension_semantics<core_parallel>, #tpu.dimension_semantics<subcore_parallel>], iteration_bounds = array<i64: 2, 16>, scalar_prefetch = 0 : i64, scratch_operands = 4 : i64, tpu.core_type = #tpu.core_type<sc_vector_subcore>, window_params = [{transform_indices = #map}, {transform_indices = #map}, {transform_indices = #map}, {transform_indices = #map1}]} {
    %mul3A = arith.constant 2 : i32
    %mul3A_0 = arith.muli %arg1, %mul3A : i32
    %add3A = arith.addi %mul3A_0, %arg0 : i32
    %mul3A_1 = arith.constant 6400 : i32
    %mul3A_2 = arith.muli %arg1, %mul3A_1 : i32
    "tpu.region"() ({
      %run_scoped3A = tpu.sem_alloc : memref<!tpu.dma_semaphore, #tpu.memory_space<semaphore_mem>>
      tpu.enqueue_dma source(%arg4 : memref<6400xf32, #tpu.memory_space<hbm>>) target(%arg8 : memref<6400xf32, #tpu.memory_space<vmem>>) target_semaphore(%run_scoped3A : memref<!tpu.dma_semaphore, #tpu.memory_space<semaphore_mem>>)
      tpu.wait_dma2 semaphore(%run_scoped3A : memref<!tpu.dma_semaphore, #tpu.memory_space<semaphore_mem>>) src(%arg4 : memref<6400xf32, #tpu.memory_space<hbm>>) dst(%arg8 : memref<6400xf32, #tpu.memory_space<vmem>>)
      tpu.yield
    }) : () -> ()
    "tpu.region"() ({
      %run_scoped3A = tpu.sem_alloc : memref<!tpu.dma_semaphore, #tpu.memory_space<semaphore_mem>>
      %dma_start3A = tpu.memref_slice %arg9[%mul3A_2] : memref<102400xf32, #tpu.memory_space<vmem_shared>> -> memref<6400xf32, #tpu.memory_space<vmem_shared>>
      %dma_start3A_12 = tpu.memref_slice %arg9[%mul3A_2] : memref<102400xf32, #tpu.memory_space<vmem_shared>> -> memref<6400xf32, #tpu.memory_space<vmem_shared>>
      tpu.enqueue_dma source(%arg8 : memref<6400xf32, #tpu.memory_space<vmem>>) target(%dma_start3A_12 : memref<6400xf32, #tpu.memory_space<vmem_shared>>) target_semaphore(%run_scoped3A : memref<!tpu.dma_semaphore, #tpu.memory_space<semaphore_mem>>)
      %dma_wait3A = tpu.memref_slice %arg9[%mul3A_2] : memref<102400xf32, #tpu.memory_space<vmem_shared>> -> memref<6400xf32, #tpu.memory_space<vmem_shared>>
      %dma_wait3A_13 = tpu.memref_slice %arg9[%mul3A_2] : memref<102400xf32, #tpu.memory_space<vmem_shared>> -> memref<6400xf32, #tpu.memory_space<vmem_shared>>
      tpu.wait_dma2 semaphore(%run_scoped3A : memref<!tpu.dma_semaphore, #tpu.memory_space<semaphore_mem>>) src(%arg8 : memref<6400xf32, #tpu.memory_space<vmem>>) dst(%dma_wait3A_13 : memref<6400xf32, #tpu.memory_space<vmem_shared>>)
      tpu.yield
    }) : () -> ()
    %barrier3A = arith.constant 0 : index
    tpu.barrier barrier_id(%barrier3A)
    "tpu.region"() ({
      %run_scoped3A = tpu.sem_alloc : memref<!tpu.dma_semaphore, #tpu.memory_space<semaphore_mem>>
      tpu.enqueue_dma source(%arg3 : memref<2000xf32, #tpu.memory_space<hbm>>) target(%arg7 : memref<2000xf32, #tpu.memory_space<vmem>>) target_semaphore(%run_scoped3A : memref<!tpu.dma_semaphore, #tpu.memory_space<semaphore_mem>>)
      tpu.wait_dma2 semaphore(%run_scoped3A : memref<!tpu.dma_semaphore, #tpu.memory_space<semaphore_mem>>) src(%arg3 : memref<2000xf32, #tpu.memory_space<hbm>>) dst(%arg7 : memref<2000xf32, #tpu.memory_space<vmem>>)
      tpu.yield
    }) : () -> ()
    %scan3A = arith.constant 0 : i32
    %scan3A_3 = arith.constant 0 : i32
    %scan3A_4 = arith.constant 100 : i32
    %scan3A_5 = arith.addi %scan3A_3, %scan3A_4 : i32
    %scan3A_6 = arith.constant 1 : i32
    scf.for %scan3A_12 = %scan3A_3 to %scan3A_5 step %scan3A_6  : i32 {
      %mul3A_13 = arith.constant 200000 : i32
      %mul3A_14 = arith.muli %add3A, %mul3A_13 : i32
      %mul3A_15 = arith.constant 2000 : i32
      %mul3A_16 = arith.muli %scan3A_12, %mul3A_15 : i32
      %add3A_17 = arith.addi %mul3A_14, %mul3A_16 : i32
      "tpu.region"() ({
        %run_scoped3A = tpu.sem_alloc : memref<!tpu.dma_semaphore, #tpu.memory_space<semaphore_mem>>
        %dma_start3A = tpu.memref_slice %arg2[%add3A_17] : memref<6400000xi32, #tpu.memory_space<hbm>> -> memref<2000xi32, #tpu.memory_space<hbm>>
        %dma_start3A_18 = tpu.memref_slice %arg2[%add3A_17] : memref<6400000xi32, #tpu.memory_space<hbm>> -> memref<2000xi32, #tpu.memory_space<hbm>>
        tpu.enqueue_dma source(%dma_start3A_18 : memref<2000xi32, #tpu.memory_space<hbm>>) target(%arg6 : memref<2000xi32, #tpu.memory_space<vmem>>) target_semaphore(%run_scoped3A : memref<!tpu.dma_semaphore, #tpu.memory_space<semaphore_mem>>)
        %dma_wait3A = tpu.memref_slice %arg2[%add3A_17] : memref<6400000xi32, #tpu.memory_space<hbm>> -> memref<2000xi32, #tpu.memory_space<hbm>>
        %dma_wait3A_19 = tpu.memref_slice %arg2[%add3A_17] : memref<6400000xi32, #tpu.memory_space<hbm>> -> memref<2000xi32, #tpu.memory_space<hbm>>
        tpu.wait_dma2 semaphore(%run_scoped3A : memref<!tpu.dma_semaphore, #tpu.memory_space<semaphore_mem>>) src(%dma_wait3A_19 : memref<2000xi32, #tpu.memory_space<hbm>>) dst(%arg6 : memref<2000xi32, #tpu.memory_space<vmem>>)
        tpu.yield
      }) : () -> ()
      "tpu.region"() ({
        %run_scoped3A = tpu.sem_alloc : memref<!tpu.dma_semaphore, #tpu.memory_space<semaphore_mem>>
        %dma_start3A = arith.constant 0 : i32
        %dma_start3A_18 = tpu.memref_slice %arg9[%dma_start3A] : memref<102400xf32, #tpu.memory_space<vmem_shared>> -> memref<102400xf32, #tpu.memory_space<vmem_shared>>
        tpu.enqueue_indirect_dma source(%arg7 : memref<2000xf32, #tpu.memory_space<vmem>>) target(%dma_start3A_18 : memref<102400xf32, #tpu.memory_space<vmem_shared>>) offsets(%arg6 : memref<2000xi32, #tpu.memory_space<vmem>>) semaphore(%run_scoped3A : memref<!tpu.dma_semaphore, #tpu.memory_space<semaphore_mem>>) {add = true}
        %dma_wait3A = arith.constant 0 : i32
        %dma_wait3A_19 = tpu.memref_slice %arg9[%dma_wait3A] : memref<102400xf32, #tpu.memory_space<vmem_shared>> -> memref<102400xf32, #tpu.memory_space<vmem_shared>>
        tpu.wait_indirect_dma semaphore(%run_scoped3A : memref<!tpu.dma_semaphore, #tpu.memory_space<semaphore_mem>>) src(%arg7 : memref<2000xf32, #tpu.memory_space<vmem>>) dst(%dma_wait3A_19 : memref<102400xf32, #tpu.memory_space<vmem_shared>>)
        tpu.yield
      }) : () -> ()
    }
    %scan3A_7 = arith.constant 100 : i32
    %barrier3A_8 = arith.constant 0 : index
    tpu.barrier barrier_id(%barrier3A_8)
    "tpu.region"() ({
      %run_scoped3A = tpu.sem_alloc : memref<!tpu.dma_semaphore, #tpu.memory_space<semaphore_mem>>
      %dma_start3A = tpu.memref_slice %arg9[%mul3A_2] : memref<102400xf32, #tpu.memory_space<vmem_shared>> -> memref<6400xf32, #tpu.memory_space<vmem_shared>>
      %dma_start3A_12 = tpu.memref_slice %arg9[%mul3A_2] : memref<102400xf32, #tpu.memory_space<vmem_shared>> -> memref<6400xf32, #tpu.memory_space<vmem_shared>>
      tpu.enqueue_dma source(%dma_start3A_12 : memref<6400xf32, #tpu.memory_space<vmem_shared>>) target(%arg8 : memref<6400xf32, #tpu.memory_space<vmem>>) target_semaphore(%run_scoped3A : memref<!tpu.dma_semaphore, #tpu.memory_space<semaphore_mem>>)
      %dma_wait3A = tpu.memref_slice %arg9[%mul3A_2] : memref<102400xf32, #tpu.memory_space<vmem_shared>> -> memref<6400xf32, #tpu.memory_space<vmem_shared>>
      %dma_wait3A_13 = tpu.memref_slice %arg9[%mul3A_2] : memref<102400xf32, #tpu.memory_space<vmem_shared>> -> memref<6400xf32, #tpu.memory_space<vmem_shared>>
      tpu.wait_dma2 semaphore(%run_scoped3A : memref<!tpu.dma_semaphore, #tpu.memory_space<semaphore_mem>>) src(%dma_wait3A_13 : memref<6400xf32, #tpu.memory_space<vmem_shared>>) dst(%arg8 : memref<6400xf32, #tpu.memory_space<vmem>>)
      tpu.yield
    }) : () -> ()
    %mul3A_9 = arith.constant 16 : i32
    %mul3A_10 = arith.muli %arg0, %mul3A_9 : i32
    %add3A_11 = arith.addi %mul3A_10, %arg1 : i32
    "tpu.region"() ({
      %run_scoped3A = tpu.sem_alloc : memref<!tpu.dma_semaphore, #tpu.memory_space<semaphore_mem>>
      %dma_start3A = arith.constant 0 : i32
      %dma_start3A_12 = tpu.memref_slice %arg5[%add3A_11, %dma_start3A] : memref<32x6400xf32, #tpu.memory_space<hbm>> -> memref<1x6400xf32, #tpu.memory_space<hbm>>
      %dma_start3A_13 = tpu.memref_squeeze %dma_start3A_12 : memref<1x6400xf32, #tpu.memory_space<hbm>> -> memref<6400xf32, #tpu.memory_space<hbm>>
      %dma_start3A_14 = arith.constant 0 : i32
      %dma_start3A_15 = tpu.memref_slice %arg5[%add3A_11, %dma_start3A_14] : memref<32x6400xf32, #tpu.memory_space<hbm>> -> memref<1x6400xf32, #tpu.memory_space<hbm>>
      %dma_start3A_16 = tpu.memref_squeeze %dma_start3A_15 : memref<1x6400xf32, #tpu.memory_space<hbm>> -> memref<6400xf32, #tpu.memory_space<hbm>>
      tpu.enqueue_dma source(%arg8 : memref<6400xf32, #tpu.memory_space<vmem>>) target(%dma_start3A_16 : memref<6400xf32, #tpu.memory_space<hbm>>) target_semaphore(%run_scoped3A : memref<!tpu.dma_semaphore, #tpu.memory_space<semaphore_mem>>)
      %dma_wait3A = arith.constant 0 : i32
      %dma_wait3A_17 = tpu.memref_slice %arg5[%add3A_11, %dma_wait3A] : memref<32x6400xf32, #tpu.memory_space<hbm>> -> memref<1x6400xf32, #tpu.memory_space<hbm>>
      %dma_wait3A_18 = tpu.memref_squeeze %dma_wait3A_17 : memref<1x6400xf32, #tpu.memory_space<hbm>> -> memref<6400xf32, #tpu.memory_space<hbm>>
      %dma_wait3A_19 = arith.constant 0 : i32
      %dma_wait3A_20 = tpu.memref_slice %arg5[%add3A_11, %dma_wait3A_19] : memref<32x6400xf32, #tpu.memory_space<hbm>> -> memref<1x6400xf32, #tpu.memory_space<hbm>>
      %dma_wait3A_21 = tpu.memref_squeeze %dma_wait3A_20 : memref<1x6400xf32, #tpu.memory_space<hbm>> -> memref<6400xf32, #tpu.memory_space<hbm>>
      tpu.wait_dma2 semaphore(%run_scoped3A : memref<!tpu.dma_semaphore, #tpu.memory_space<semaphore_mem>>) src(%arg8 : memref<6400xf32, #tpu.memory_space<vmem>>) dst(%dma_wait3A_21 : memref<6400xf32, #tpu.memory_space<hbm>>)
      tpu.yield
    }) : () -> ()
    return
  }
}

#map = affine_map<(d0, d1) -> (0)>
#map1 = affine_map<(d0, d1) -> (0, 0, 0)>
#map2 = affine_map<(d0, d1) -> (0, 0)>
module attributes {stable_mosaic.version = 14 : i64} {
  func.func @body(%arg0: i32, %arg1: i32, %arg2: memref<6400000xi32, #tpu.memory_space<hbm>>, %arg3: memref<6400000xi32, #tpu.memory_space<hbm>>, %arg4: memref<2x102400x16xf32, #tpu.memory_space<hbm>>, %arg5: memref<1600x16xf32, #tpu.memory_space<hbm>>, %arg6: memref<128x1600x16xf32, #tpu.memory_space<hbm>>, %arg7: memref<2000xi32, #tpu.memory_space<vmem>>, %arg8: memref<2000xi32, #tpu.memory_space<vmem>>, %arg9: memref<2000xi32, #tpu.memory_space<vmem>>, %arg10: memref<2000xi32, #tpu.memory_space<vmem>>, %arg11: memref<2000x16xf32, #tpu.memory_space<vmem>>, %arg12: memref<1600x16xf32, #tpu.memory_space<vmem>>, %arg13: memref<51200x16xf32, #tpu.memory_space<vmem_shared>>) attributes {dimension_semantics = [#tpu.dimension_semantics<core_parallel>, #tpu.dimension_semantics<subcore_parallel>], iteration_bounds = array<i64: 2, 16>, scalar_prefetch = 0 : i64, scratch_operands = 7 : i64, tpu.core_type = #tpu.core_type<sc_vector_subcore>, window_params = [{transform_indices = #map}, {transform_indices = #map}, {transform_indices = #map1}, {transform_indices = #map2}, {transform_indices = #map1}]} {
    %mul3A = arith.constant 51200 : i32
    %mul3A_0 = arith.muli %arg0, %mul3A : i32
    %add3A = arith.constant 51200 : i32
    %add3A_1 = arith.addi %mul3A_0, %add3A : i32
    "tpu.region"() ({
      %run_scoped3A = tpu.sem_alloc : memref<!tpu.dma_semaphore, #tpu.memory_space<semaphore_mem>>
      tpu.enqueue_dma source(%arg5 : memref<1600x16xf32, #tpu.memory_space<hbm>>) target(%arg12 : memref<1600x16xf32, #tpu.memory_space<vmem>>) target_semaphore(%run_scoped3A : memref<!tpu.dma_semaphore, #tpu.memory_space<semaphore_mem>>)
      tpu.wait_dma2 semaphore(%run_scoped3A : memref<!tpu.dma_semaphore, #tpu.memory_space<semaphore_mem>>) src(%arg5 : memref<1600x16xf32, #tpu.memory_space<hbm>>) dst(%arg12 : memref<1600x16xf32, #tpu.memory_space<vmem>>)
      tpu.yield
    }) : () -> ()
    %mul3A_2 = arith.constant 3200 : i32
    %mul3A_3 = arith.muli %arg1, %mul3A_2 : i32
    %add3A_4 = arith.constant 0 : i32
    %add3A_5 = arith.addi %mul3A_3, %add3A_4 : i32
    "tpu.region"() ({
      %run_scoped3A = tpu.sem_alloc : memref<!tpu.dma_semaphore, #tpu.memory_space<semaphore_mem>>
      %dma_start3A = arith.constant 0 : i32
      %dma_start3A_86 = tpu.memref_slice %arg13[%add3A_5, %dma_start3A] : memref<51200x16xf32, #tpu.memory_space<vmem_shared>> -> memref<1600x16xf32, #tpu.memory_space<vmem_shared>>
      %dma_start3A_87 = arith.constant 0 : i32
      %dma_start3A_88 = tpu.memref_slice %arg13[%add3A_5, %dma_start3A_87] : memref<51200x16xf32, #tpu.memory_space<vmem_shared>> -> memref<1600x16xf32, #tpu.memory_space<vmem_shared>>
      tpu.enqueue_dma source(%arg12 : memref<1600x16xf32, #tpu.memory_space<vmem>>) target(%dma_start3A_88 : memref<1600x16xf32, #tpu.memory_space<vmem_shared>>) target_semaphore(%run_scoped3A : memref<!tpu.dma_semaphore, #tpu.memory_space<semaphore_mem>>)
      %dma_wait3A = arith.constant 0 : i32
      %dma_wait3A_89 = tpu.memref_slice %arg13[%add3A_5, %dma_wait3A] : memref<51200x16xf32, #tpu.memory_space<vmem_shared>> -> memref<1600x16xf32, #tpu.memory_space<vmem_shared>>
      %dma_wait3A_90 = arith.constant 0 : i32
      %dma_wait3A_91 = tpu.memref_slice %arg13[%add3A_5, %dma_wait3A_90] : memref<51200x16xf32, #tpu.memory_space<vmem_shared>> -> memref<1600x16xf32, #tpu.memory_space<vmem_shared>>
      tpu.wait_dma2 semaphore(%run_scoped3A : memref<!tpu.dma_semaphore, #tpu.memory_space<semaphore_mem>>) src(%arg12 : memref<1600x16xf32, #tpu.memory_space<vmem>>) dst(%dma_wait3A_91 : memref<1600x16xf32, #tpu.memory_space<vmem_shared>>)
      tpu.yield
    }) : () -> ()
    %mul3A_6 = arith.constant 3200 : i32
    %mul3A_7 = arith.muli %arg1, %mul3A_6 : i32
    %add3A_8 = arith.constant 1600 : i32
    %add3A_9 = arith.addi %mul3A_7, %add3A_8 : i32
    "tpu.region"() ({
      %run_scoped3A = tpu.sem_alloc : memref<!tpu.dma_semaphore, #tpu.memory_space<semaphore_mem>>
      %dma_start3A = arith.constant 0 : i32
      %dma_start3A_86 = tpu.memref_slice %arg13[%add3A_9, %dma_start3A] : memref<51200x16xf32, #tpu.memory_space<vmem_shared>> -> memref<1600x16xf32, #tpu.memory_space<vmem_shared>>
      %dma_start3A_87 = arith.constant 0 : i32
      %dma_start3A_88 = tpu.memref_slice %arg13[%add3A_9, %dma_start3A_87] : memref<51200x16xf32, #tpu.memory_space<vmem_shared>> -> memref<1600x16xf32, #tpu.memory_space<vmem_shared>>
      tpu.enqueue_dma source(%arg12 : memref<1600x16xf32, #tpu.memory_space<vmem>>) target(%dma_start3A_88 : memref<1600x16xf32, #tpu.memory_space<vmem_shared>>) target_semaphore(%run_scoped3A : memref<!tpu.dma_semaphore, #tpu.memory_space<semaphore_mem>>)
      %dma_wait3A = arith.constant 0 : i32
      %dma_wait3A_89 = tpu.memref_slice %arg13[%add3A_9, %dma_wait3A] : memref<51200x16xf32, #tpu.memory_space<vmem_shared>> -> memref<1600x16xf32, #tpu.memory_space<vmem_shared>>
      %dma_wait3A_90 = arith.constant 0 : i32
      %dma_wait3A_91 = tpu.memref_slice %arg13[%add3A_9, %dma_wait3A_90] : memref<51200x16xf32, #tpu.memory_space<vmem_shared>> -> memref<1600x16xf32, #tpu.memory_space<vmem_shared>>
      tpu.wait_dma2 semaphore(%run_scoped3A : memref<!tpu.dma_semaphore, #tpu.memory_space<semaphore_mem>>) src(%arg12 : memref<1600x16xf32, #tpu.memory_space<vmem>>) dst(%dma_wait3A_91 : memref<1600x16xf32, #tpu.memory_space<vmem_shared>>)
      tpu.yield
    }) : () -> ()
    %barrier3A = arith.constant 0 : index
    tpu.barrier barrier_id(%barrier3A)
    %scan3A = arith.constant 0 : i32
    %scan3A_10 = arith.constant 0 : i32
    %scan3A_11 = arith.constant 0 : i32
    %scan3A_12 = arith.constant 200 : i32
    %scan3A_13 = arith.addi %scan3A_11, %scan3A_12 : i32
    %scan3A_14 = arith.constant 1 : i32
    scf.for %scan3A_86 = %scan3A_11 to %scan3A_13 step %scan3A_14  : i32 {
      %mul3A_87 = arith.constant 400000 : i32
      %mul3A_88 = arith.muli %arg1, %mul3A_87 : i32
      %mul3A_89 = arith.constant 2000 : i32
      %mul3A_90 = arith.muli %scan3A_86, %mul3A_89 : i32
      %add3A_91 = arith.addi %mul3A_88, %mul3A_90 : i32
      "tpu.region"() ({
        %run_scoped3A = tpu.sem_alloc : memref<!tpu.dma_semaphore, #tpu.memory_space<semaphore_mem>>
        %dma_start3A = tpu.memref_slice %arg2[%add3A_91] : memref<6400000xi32, #tpu.memory_space<hbm>> -> memref<2000xi32, #tpu.memory_space<hbm>>
        %dma_start3A_98 = tpu.memref_slice %arg2[%add3A_91] : memref<6400000xi32, #tpu.memory_space<hbm>> -> memref<2000xi32, #tpu.memory_space<hbm>>
        tpu.enqueue_dma source(%dma_start3A_98 : memref<2000xi32, #tpu.memory_space<hbm>>) target(%arg7 : memref<2000xi32, #tpu.memory_space<vmem>>) target_semaphore(%run_scoped3A : memref<!tpu.dma_semaphore, #tpu.memory_space<semaphore_mem>>)
        %dma_wait3A = tpu.memref_slice %arg2[%add3A_91] : memref<6400000xi32, #tpu.memory_space<hbm>> -> memref<2000xi32, #tpu.memory_space<hbm>>
        %dma_wait3A_99 = tpu.memref_slice %arg2[%add3A_91] : memref<6400000xi32, #tpu.memory_space<hbm>> -> memref<2000xi32, #tpu.memory_space<hbm>>
        tpu.wait_dma2 semaphore(%run_scoped3A : memref<!tpu.dma_semaphore, #tpu.memory_space<semaphore_mem>>) src(%dma_wait3A_99 : memref<2000xi32, #tpu.memory_space<hbm>>) dst(%arg7 : memref<2000xi32, #tpu.memory_space<vmem>>)
        tpu.yield
      }) : () -> ()
      "tpu.region"() ({
        %run_scoped3A = tpu.sem_alloc : memref<!tpu.dma_semaphore, #tpu.memory_space<semaphore_mem>>
        %dma_start3A = tpu.memref_slice %arg3[%add3A_91] : memref<6400000xi32, #tpu.memory_space<hbm>> -> memref<2000xi32, #tpu.memory_space<hbm>>
        %dma_start3A_98 = tpu.memref_slice %arg3[%add3A_91] : memref<6400000xi32, #tpu.memory_space<hbm>> -> memref<2000xi32, #tpu.memory_space<hbm>>
        tpu.enqueue_dma source(%dma_start3A_98 : memref<2000xi32, #tpu.memory_space<hbm>>) target(%arg8 : memref<2000xi32, #tpu.memory_space<vmem>>) target_semaphore(%run_scoped3A : memref<!tpu.dma_semaphore, #tpu.memory_space<semaphore_mem>>)
        %dma_wait3A = tpu.memref_slice %arg3[%add3A_91] : memref<6400000xi32, #tpu.memory_space<hbm>> -> memref<2000xi32, #tpu.memory_space<hbm>>
        %dma_wait3A_99 = tpu.memref_slice %arg3[%add3A_91] : memref<6400000xi32, #tpu.memory_space<hbm>> -> memref<2000xi32, #tpu.memory_space<hbm>>
        tpu.wait_dma2 semaphore(%run_scoped3A : memref<!tpu.dma_semaphore, #tpu.memory_space<semaphore_mem>>) src(%dma_wait3A_99 : memref<2000xi32, #tpu.memory_space<hbm>>) dst(%arg8 : memref<2000xi32, #tpu.memory_space<vmem>>)
        tpu.yield
      }) : () -> ()
      %scan3A_92 = arith.constant 0 : i32
      %scan3A_93 = arith.constant 0 : i32
      %scan3A_94 = arith.constant 125 : i32
      %scan3A_95 = arith.addi %scan3A_93, %scan3A_94 : i32
      %scan3A_96 = arith.constant 1 : i32
      scf.for %scan3A_98 = %scan3A_93 to %scan3A_95 step %scan3A_96  : i32 {
        %mul3A_99 = arith.constant 16 : i32
        %mul3A_100 = arith.muli %scan3A_98, %mul3A_99 : i32
        %multiple_of3A = tpu.assume_multiple %mul3A_100, 16 : i32
        %get3A = arith.index_cast %multiple_of3A : i32 to index
        %get3A_101 = tpu.vector_load %arg7[%get3A] {strides = array<i32>} : memref<2000xi32, #tpu.memory_space<vmem>>, vector<16xi32>,
        %get3A_102 = vector.shape_cast %get3A_101 : vector<16xi32> to vector<16xi32>
        %get3A_103 = arith.index_cast %multiple_of3A : i32 to index
        %get3A_104 = tpu.vector_load %arg8[%get3A_103] {strides = array<i32>} : memref<2000xi32, #tpu.memory_space<vmem>>, vector<16xi32>,
        %get3A_105 = vector.shape_cast %get3A_104 : vector<16xi32> to vector<16xi32>
        %ge3A = vector.broadcast %mul3A_0 : i32 to vector<16xi32>
        %ge3A_106 = arith.cmpi sge, %get3A_105, %ge3A : vector<16xi32>
        %lt3A = vector.broadcast %add3A_1 : i32 to vector<16xi32>
        %lt3A_107 = arith.cmpi slt, %get3A_105, %lt3A : vector<16xi32>
        %and3A = arith.andi %ge3A_106, %lt3A_107 : vector<16xi1>
        %jit3A = arith.constant -1 : i32
        %broadcast_in_dim3A = vector.broadcast %jit3A : i32 to vector<16xi32>
        %select_n3A = arith.select %and3A, %get3A_102, %broadcast_in_dim3A : vector<16xi1>, vector<16xi32>
        %swap3A = arith.index_cast %multiple_of3A : i32 to index
        %swap3A_108 = tpu.vector_load %arg9[%swap3A] {strides = array<i32>} : memref<2000xi32, #tpu.memory_space<vmem>>, vector<16xi32>,
        %swap3A_109 = vector.shape_cast %swap3A_108 : vector<16xi32> to vector<16xi32>
        %swap3A_110 = vector.shape_cast %select_n3A : vector<16xi32> to vector<16xi32>
        tpu.vector_store %arg9[%swap3A], %swap3A_110 {strides = array<i32>} : memref<2000xi32, #tpu.memory_space<vmem>>, vector<16xi32>,
        %sub3A = vector.broadcast %mul3A_0 : i32 to vector<16xi32>
        %sub3A_111 = arith.subi %get3A_105, %sub3A : vector<16xi32>
        %jit3A_112 = arith.constant -1 : i32
        %broadcast_in_dim3A_113 = vector.broadcast %jit3A_112 : i32 to vector<16xi32>
        %select_n3A_114 = arith.select %and3A, %sub3A_111, %broadcast_in_dim3A_113 : vector<16xi1>, vector<16xi32>
        %swap3A_115 = arith.index_cast %multiple_of3A : i32 to index
        %swap3A_116 = tpu.vector_load %arg10[%swap3A_115] {strides = array<i32>} : memref<2000xi32, #tpu.memory_space<vmem>>, vector<16xi32>,
        %swap3A_117 = vector.shape_cast %swap3A_116 : vector<16xi32> to vector<16xi32>
        %swap3A_118 = vector.shape_cast %select_n3A_114 : vector<16xi32> to vector<16xi32>
        tpu.vector_store %arg10[%swap3A_115], %swap3A_118 {strides = array<i32>} : memref<2000xi32, #tpu.memory_space<vmem>>, vector<16xi32>,
      }
      %scan3A_97 = arith.constant 125 : i32
      "tpu.region"() ({
        %run_scoped3A = tpu.sem_alloc : memref<!tpu.dma_semaphore, #tpu.memory_space<semaphore_mem>>
        %dma_start3A = arith.constant 0 : i32
        %dma_start3A_98 = arith.constant 0 : i32
        %dma_start3A_99 = tpu.memref_slice %arg4[%scan3A_10, %dma_start3A, %dma_start3A_98] : memref<2x102400x16xf32, #tpu.memory_space<hbm>> -> memref<1x102400x16xf32, #tpu.memory_space<hbm>>
        %dma_start3A_100 = tpu.memref_squeeze %dma_start3A_99 : memref<1x102400x16xf32, #tpu.memory_space<hbm>> -> memref<102400x16xf32, #tpu.memory_space<hbm>>
        %dma_start3A_101 = arith.constant 0 : i32
        %dma_start3A_102 = arith.constant 0 : i32
        %dma_start3A_103 = tpu.memref_slice %dma_start3A_100[%dma_start3A_101, %dma_start3A_102] : memref<102400x16xf32, #tpu.memory_space<hbm>> -> memref<102400x16xf32, #tpu.memory_space<hbm>>
        %dma_start3A_104 = arith.constant -1 : i32
        tpu.enqueue_indirect_dma source(%dma_start3A_103 : memref<102400x16xf32, #tpu.memory_space<hbm>>) target(%arg11 : memref<2000x16xf32, #tpu.memory_space<vmem>>) offsets(%arg9 : memref<2000xi32, #tpu.memory_space<vmem>>) offset_filter(%dma_start3A_104) semaphore(%run_scoped3A : memref<!tpu.dma_semaphore, #tpu.memory_space<semaphore_mem>>)
        %dma_wait3A = arith.constant 0 : i32
        %dma_wait3A_105 = arith.constant 0 : i32
        %dma_wait3A_106 = tpu.memref_slice %arg4[%scan3A_10, %dma_wait3A, %dma_wait3A_105] : memref<2x102400x16xf32, #tpu.memory_space<hbm>> -> memref<1x102400x16xf32, #tpu.memory_space<hbm>>
        %dma_wait3A_107 = tpu.memref_squeeze %dma_wait3A_106 : memref<1x102400x16xf32, #tpu.memory_space<hbm>> -> memref<102400x16xf32, #tpu.memory_space<hbm>>
        %dma_wait3A_108 = arith.constant 0 : i32
        %dma_wait3A_109 = arith.constant 0 : i32
        %dma_wait3A_110 = tpu.memref_slice %dma_wait3A_107[%dma_wait3A_108, %dma_wait3A_109] : memref<102400x16xf32, #tpu.memory_space<hbm>> -> memref<102400x16xf32, #tpu.memory_space<hbm>>
        tpu.wait_indirect_dma semaphore(%run_scoped3A : memref<!tpu.dma_semaphore, #tpu.memory_space<semaphore_mem>>) src(%dma_wait3A_110 : memref<102400x16xf32, #tpu.memory_space<hbm>>) dst(%arg11 : memref<2000x16xf32, #tpu.memory_space<vmem>>)
        tpu.yield
      }) : () -> ()
      "tpu.region"() ({
        %run_scoped3A = tpu.sem_alloc : memref<!tpu.dma_semaphore, #tpu.memory_space<semaphore_mem>>
        %dma_start3A = arith.constant 0 : i32
        %dma_start3A_98 = arith.constant 0 : i32
        %dma_start3A_99 = tpu.memref_slice %arg13[%dma_start3A, %dma_start3A_98] : memref<51200x16xf32, #tpu.memory_space<vmem_shared>> -> memref<51200x16xf32, #tpu.memory_space<vmem_shared>>
        %dma_start3A_100 = arith.constant -1 : i32
        tpu.enqueue_indirect_dma source(%arg11 : memref<2000x16xf32, #tpu.memory_space<vmem>>) target(%dma_start3A_99 : memref<51200x16xf32, #tpu.memory_space<vmem_shared>>) offsets(%arg10 : memref<2000xi32, #tpu.memory_space<vmem>>) offset_filter(%dma_start3A_100) semaphore(%run_scoped3A : memref<!tpu.dma_semaphore, #tpu.memory_space<semaphore_mem>>) {add = true}
        %dma_wait3A = arith.constant 0 : i32
        %dma_wait3A_101 = arith.constant 0 : i32
        %dma_wait3A_102 = tpu.memref_slice %arg13[%dma_wait3A, %dma_wait3A_101] : memref<51200x16xf32, #tpu.memory_space<vmem_shared>> -> memref<51200x16xf32, #tpu.memory_space<vmem_shared>>
        tpu.wait_indirect_dma semaphore(%run_scoped3A : memref<!tpu.dma_semaphore, #tpu.memory_space<semaphore_mem>>) src(%arg11 : memref<2000x16xf32, #tpu.memory_space<vmem>>) dst(%dma_wait3A_102 : memref<51200x16xf32, #tpu.memory_space<vmem_shared>>)
        tpu.yield
      }) : () -> ()
    }
    %scan3A_15 = arith.constant 200 : i32
    %barrier3A_16 = arith.constant 0 : index
    tpu.barrier barrier_id(%barrier3A_16)
    %mul3A_17 = arith.constant 3200 : i32
    %mul3A_18 = arith.muli %arg1, %mul3A_17 : i32
    %add3A_19 = arith.constant 0 : i32
    %add3A_20 = arith.addi %mul3A_18, %add3A_19 : i32
    "tpu.region"() ({
      %run_scoped3A = tpu.sem_alloc : memref<!tpu.dma_semaphore, #tpu.memory_space<semaphore_mem>>
      %dma_start3A = arith.constant 0 : i32
      %dma_start3A_86 = tpu.memref_slice %arg13[%add3A_20, %dma_start3A] : memref<51200x16xf32, #tpu.memory_space<vmem_shared>> -> memref<1600x16xf32, #tpu.memory_space<vmem_shared>>
      %dma_start3A_87 = arith.constant 0 : i32
      %dma_start3A_88 = tpu.memref_slice %arg13[%add3A_20, %dma_start3A_87] : memref<51200x16xf32, #tpu.memory_space<vmem_shared>> -> memref<1600x16xf32, #tpu.memory_space<vmem_shared>>
      tpu.enqueue_dma source(%dma_start3A_88 : memref<1600x16xf32, #tpu.memory_space<vmem_shared>>) target(%arg12 : memref<1600x16xf32, #tpu.memory_space<vmem>>) target_semaphore(%run_scoped3A : memref<!tpu.dma_semaphore, #tpu.memory_space<semaphore_mem>>)
      %dma_wait3A = arith.constant 0 : i32
      %dma_wait3A_89 = tpu.memref_slice %arg13[%add3A_20, %dma_wait3A] : memref<51200x16xf32, #tpu.memory_space<vmem_shared>> -> memref<1600x16xf32, #tpu.memory_space<vmem_shared>>
      %dma_wait3A_90 = arith.constant 0 : i32
      %dma_wait3A_91 = tpu.memref_slice %arg13[%add3A_20, %dma_wait3A_90] : memref<51200x16xf32, #tpu.memory_space<vmem_shared>> -> memref<1600x16xf32, #tpu.memory_space<vmem_shared>>
      tpu.wait_dma2 semaphore(%run_scoped3A : memref<!tpu.dma_semaphore, #tpu.memory_space<semaphore_mem>>) src(%dma_wait3A_91 : memref<1600x16xf32, #tpu.memory_space<vmem_shared>>) dst(%arg12 : memref<1600x16xf32, #tpu.memory_space<vmem>>)
      tpu.yield
    }) : () -> ()
    %add3A_21 = arith.constant 0 : i32
    %add3A_22 = arith.addi %add3A_21, %arg0 : i32
    %mul3A_23 = arith.constant 16 : i32
    %mul3A_24 = arith.muli %add3A_22, %mul3A_23 : i32
    %add3A_25 = arith.addi %mul3A_24, %arg1 : i32
    %mul3A_26 = arith.constant 2 : i32
    %mul3A_27 = arith.muli %add3A_25, %mul3A_26 : i32
    %add3A_28 = arith.constant 0 : i32
    %add3A_29 = arith.addi %mul3A_27, %add3A_28 : i32
    "tpu.region"() ({
      %run_scoped3A = tpu.sem_alloc : memref<!tpu.dma_semaphore, #tpu.memory_space<semaphore_mem>>
      %dma_start3A = arith.constant 0 : i32
      %dma_start3A_86 = arith.constant 0 : i32
      %dma_start3A_87 = tpu.memref_slice %arg6[%add3A_29, %dma_start3A, %dma_start3A_86] : memref<128x1600x16xf32, #tpu.memory_space<hbm>> -> memref<1x1600x16xf32, #tpu.memory_space<hbm>>
      %dma_start3A_88 = tpu.memref_squeeze %dma_start3A_87 : memref<1x1600x16xf32, #tpu.memory_space<hbm>> -> memref<1600x16xf32, #tpu.memory_space<hbm>>
      %dma_start3A_89 = arith.constant 0 : i32
      %dma_start3A_90 = arith.constant 0 : i32
      %dma_start3A_91 = tpu.memref_slice %arg6[%add3A_29, %dma_start3A_89, %dma_start3A_90] : memref<128x1600x16xf32, #tpu.memory_space<hbm>> -> memref<1x1600x16xf32, #tpu.memory_space<hbm>>
      %dma_start3A_92 = tpu.memref_squeeze %dma_start3A_91 : memref<1x1600x16xf32, #tpu.memory_space<hbm>> -> memref<1600x16xf32, #tpu.memory_space<hbm>>
      tpu.enqueue_dma source(%arg12 : memref<1600x16xf32, #tpu.memory_space<vmem>>) target(%dma_start3A_92 : memref<1600x16xf32, #tpu.memory_space<hbm>>) target_semaphore(%run_scoped3A : memref<!tpu.dma_semaphore, #tpu.memory_space<semaphore_mem>>)
      %dma_wait3A = arith.constant 0 : i32
      %dma_wait3A_93 = arith.constant 0 : i32
      %dma_wait3A_94 = tpu.memref_slice %arg6[%add3A_29, %dma_wait3A, %dma_wait3A_93] : memref<128x1600x16xf32, #tpu.memory_space<hbm>> -> memref<1x1600x16xf32, #tpu.memory_space<hbm>>
      %dma_wait3A_95 = tpu.memref_squeeze %dma_wait3A_94 : memref<1x1600x16xf32, #tpu.memory_space<hbm>> -> memref<1600x16xf32, #tpu.memory_space<hbm>>
      %dma_wait3A_96 = arith.constant 0 : i32
      %dma_wait3A_97 = arith.constant 0 : i32
      %dma_wait3A_98 = tpu.memref_slice %arg6[%add3A_29, %dma_wait3A_96, %dma_wait3A_97] : memref<128x1600x16xf32, #tpu.memory_space<hbm>> -> memref<1x1600x16xf32, #tpu.memory_space<hbm>>
      %dma_wait3A_99 = tpu.memref_squeeze %dma_wait3A_98 : memref<1x1600x16xf32, #tpu.memory_space<hbm>> -> memref<1600x16xf32, #tpu.memory_space<hbm>>
      tpu.wait_dma2 semaphore(%run_scoped3A : memref<!tpu.dma_semaphore, #tpu.memory_space<semaphore_mem>>) src(%arg12 : memref<1600x16xf32, #tpu.memory_space<vmem>>) dst(%dma_wait3A_99 : memref<1600x16xf32, #tpu.memory_space<hbm>>)
      tpu.yield
    }) : () -> ()
    %mul3A_30 = arith.constant 3200 : i32
    %mul3A_31 = arith.muli %arg1, %mul3A_30 : i32
    %add3A_32 = arith.constant 1600 : i32
    %add3A_33 = arith.addi %mul3A_31, %add3A_32 : i32
    "tpu.region"() ({
      %run_scoped3A = tpu.sem_alloc : memref<!tpu.dma_semaphore, #tpu.memory_space<semaphore_mem>>
      %dma_start3A = arith.constant 0 : i32
      %dma_start3A_86 = tpu.memref_slice %arg13[%add3A_33, %dma_start3A] : memref<51200x16xf32, #tpu.memory_space<vmem_shared>> -> memref<1600x16xf32, #tpu.memory_space<vmem_shared>>
      %dma_start3A_87 = arith.constant 0 : i32
      %dma_start3A_88 = tpu.memref_slice %arg13[%add3A_33, %dma_start3A_87] : memref<51200x16xf32, #tpu.memory_space<vmem_shared>> -> memref<1600x16xf32, #tpu.memory_space<vmem_shared>>
      tpu.enqueue_dma source(%dma_start3A_88 : memref<1600x16xf32, #tpu.memory_space<vmem_shared>>) target(%arg12 : memref<1600x16xf32, #tpu.memory_space<vmem>>) target_semaphore(%run_scoped3A : memref<!tpu.dma_semaphore, #tpu.memory_space<semaphore_mem>>)
      %dma_wait3A = arith.constant 0 : i32
      %dma_wait3A_89 = tpu.memref_slice %arg13[%add3A_33, %dma_wait3A] : memref<51200x16xf32, #tpu.memory_space<vmem_shared>> -> memref<1600x16xf32, #tpu.memory_space<vmem_shared>>
      %dma_wait3A_90 = arith.constant 0 : i32
      %dma_wait3A_91 = tpu.memref_slice %arg13[%add3A_33, %dma_wait3A_90] : memref<51200x16xf32, #tpu.memory_space<vmem_shared>> -> memref<1600x16xf32, #tpu.memory_space<vmem_shared>>
      tpu.wait_dma2 semaphore(%run_scoped3A : memref<!tpu.dma_semaphore, #tpu.memory_space<semaphore_mem>>) src(%dma_wait3A_91 : memref<1600x16xf32, #tpu.memory_space<vmem_shared>>) dst(%arg12 : memref<1600x16xf32, #tpu.memory_space<vmem>>)
      tpu.yield
    }) : () -> ()
    %add3A_34 = arith.constant 0 : i32
    %add3A_35 = arith.addi %add3A_34, %arg0 : i32
    %mul3A_36 = arith.constant 16 : i32
    %mul3A_37 = arith.muli %add3A_35, %mul3A_36 : i32
    %add3A_38 = arith.addi %mul3A_37, %arg1 : i32
    %mul3A_39 = arith.constant 2 : i32
    %mul3A_40 = arith.muli %add3A_38, %mul3A_39 : i32
    %add3A_41 = arith.constant 1 : i32
    %add3A_42 = arith.addi %mul3A_40, %add3A_41 : i32
    "tpu.region"() ({
      %run_scoped3A = tpu.sem_alloc : memref<!tpu.dma_semaphore, #tpu.memory_space<semaphore_mem>>
      %dma_start3A = arith.constant 0 : i32
      %dma_start3A_86 = arith.constant 0 : i32
      %dma_start3A_87 = tpu.memref_slice %arg6[%add3A_42, %dma_start3A, %dma_start3A_86] : memref<128x1600x16xf32, #tpu.memory_space<hbm>> -> memref<1x1600x16xf32, #tpu.memory_space<hbm>>
      %dma_start3A_88 = tpu.memref_squeeze %dma_start3A_87 : memref<1x1600x16xf32, #tpu.memory_space<hbm>> -> memref<1600x16xf32, #tpu.memory_space<hbm>>
      %dma_start3A_89 = arith.constant 0 : i32
      %dma_start3A_90 = arith.constant 0 : i32
      %dma_start3A_91 = tpu.memref_slice %arg6[%add3A_42, %dma_start3A_89, %dma_start3A_90] : memref<128x1600x16xf32, #tpu.memory_space<hbm>> -> memref<1x1600x16xf32, #tpu.memory_space<hbm>>
      %dma_start3A_92 = tpu.memref_squeeze %dma_start3A_91 : memref<1x1600x16xf32, #tpu.memory_space<hbm>> -> memref<1600x16xf32, #tpu.memory_space<hbm>>
      tpu.enqueue_dma source(%arg12 : memref<1600x16xf32, #tpu.memory_space<vmem>>) target(%dma_start3A_92 : memref<1600x16xf32, #tpu.memory_space<hbm>>) target_semaphore(%run_scoped3A : memref<!tpu.dma_semaphore, #tpu.memory_space<semaphore_mem>>)
      %dma_wait3A = arith.constant 0 : i32
      %dma_wait3A_93 = arith.constant 0 : i32
      %dma_wait3A_94 = tpu.memref_slice %arg6[%add3A_42, %dma_wait3A, %dma_wait3A_93] : memref<128x1600x16xf32, #tpu.memory_space<hbm>> -> memref<1x1600x16xf32, #tpu.memory_space<hbm>>
      %dma_wait3A_95 = tpu.memref_squeeze %dma_wait3A_94 : memref<1x1600x16xf32, #tpu.memory_space<hbm>> -> memref<1600x16xf32, #tpu.memory_space<hbm>>
      %dma_wait3A_96 = arith.constant 0 : i32
      %dma_wait3A_97 = arith.constant 0 : i32
      %dma_wait3A_98 = tpu.memref_slice %arg6[%add3A_42, %dma_wait3A_96, %dma_wait3A_97] : memref<128x1600x16xf32, #tpu.memory_space<hbm>> -> memref<1x1600x16xf32, #tpu.memory_space<hbm>>
      %dma_wait3A_99 = tpu.memref_squeeze %dma_wait3A_98 : memref<1x1600x16xf32, #tpu.memory_space<hbm>> -> memref<1600x16xf32, #tpu.memory_space<hbm>>
      tpu.wait_dma2 semaphore(%run_scoped3A : memref<!tpu.dma_semaphore, #tpu.memory_space<semaphore_mem>>) src(%arg12 : memref<1600x16xf32, #tpu.memory_space<vmem>>) dst(%dma_wait3A_99 : memref<1600x16xf32, #tpu.memory_space<hbm>>)
      tpu.yield
    }) : () -> ()
    "tpu.region"() ({
      %run_scoped3A = tpu.sem_alloc : memref<!tpu.dma_semaphore, #tpu.memory_space<semaphore_mem>>
      tpu.enqueue_dma source(%arg5 : memref<1600x16xf32, #tpu.memory_space<hbm>>) target(%arg12 : memref<1600x16xf32, #tpu.memory_space<vmem>>) target_semaphore(%run_scoped3A : memref<!tpu.dma_semaphore, #tpu.memory_space<semaphore_mem>>)
      tpu.wait_dma2 semaphore(%run_scoped3A : memref<!tpu.dma_semaphore, #tpu.memory_space<semaphore_mem>>) src(%arg5 : memref<1600x16xf32, #tpu.memory_space<hbm>>) dst(%arg12 : memref<1600x16xf32, #tpu.memory_space<vmem>>)
      tpu.yield
    }) : () -> ()
    %mul3A_43 = arith.constant 3200 : i32
    %mul3A_44 = arith.muli %arg1, %mul3A_43 : i32
    %add3A_45 = arith.constant 0 : i32
    %add3A_46 = arith.addi %mul3A_44, %add3A_45 : i32
    "tpu.region"() ({
      %run_scoped3A = tpu.sem_alloc : memref<!tpu.dma_semaphore, #tpu.memory_space<semaphore_mem>>
      %dma_start3A = arith.constant 0 : i32
      %dma_start3A_86 = tpu.memref_slice %arg13[%add3A_46, %dma_start3A] : memref<51200x16xf32, #tpu.memory_space<vmem_shared>> -> memref<1600x16xf32, #tpu.memory_space<vmem_shared>>
      %dma_start3A_87 = arith.constant 0 : i32
      %dma_start3A_88 = tpu.memref_slice %arg13[%add3A_46, %dma_start3A_87] : memref<51200x16xf32, #tpu.memory_space<vmem_shared>> -> memref<1600x16xf32, #tpu.memory_space<vmem_shared>>
      tpu.enqueue_dma source(%arg12 : memref<1600x16xf32, #tpu.memory_space<vmem>>) target(%dma_start3A_88 : memref<1600x16xf32, #tpu.memory_space<vmem_shared>>) target_semaphore(%run_scoped3A : memref<!tpu.dma_semaphore, #tpu.memory_space<semaphore_mem>>)
      %dma_wait3A = arith.constant 0 : i32
      %dma_wait3A_89 = tpu.memref_slice %arg13[%add3A_46, %dma_wait3A] : memref<51200x16xf32, #tpu.memory_space<vmem_shared>> -> memref<1600x16xf32, #tpu.memory_space<vmem_shared>>
      %dma_wait3A_90 = arith.constant 0 : i32
      %dma_wait3A_91 = tpu.memref_slice %arg13[%add3A_46, %dma_wait3A_90] : memref<51200x16xf32, #tpu.memory_space<vmem_shared>> -> memref<1600x16xf32, #tpu.memory_space<vmem_shared>>
      tpu.wait_dma2 semaphore(%run_scoped3A : memref<!tpu.dma_semaphore, #tpu.memory_space<semaphore_mem>>) src(%arg12 : memref<1600x16xf32, #tpu.memory_space<vmem>>) dst(%dma_wait3A_91 : memref<1600x16xf32, #tpu.memory_space<vmem_shared>>)
      tpu.yield
    }) : () -> ()
    %mul3A_47 = arith.constant 3200 : i32
    %mul3A_48 = arith.muli %arg1, %mul3A_47 : i32
    %add3A_49 = arith.constant 1600 : i32
    %add3A_50 = arith.addi %mul3A_48, %add3A_49 : i32
    "tpu.region"() ({
      %run_scoped3A = tpu.sem_alloc : memref<!tpu.dma_semaphore, #tpu.memory_space<semaphore_mem>>
      %dma_start3A = arith.constant 0 : i32
      %dma_start3A_86 = tpu.memref_slice %arg13[%add3A_50, %dma_start3A] : memref<51200x16xf32, #tpu.memory_space<vmem_shared>> -> memref<1600x16xf32, #tpu.memory_space<vmem_shared>>
      %dma_start3A_87 = arith.constant 0 : i32
      %dma_start3A_88 = tpu.memref_slice %arg13[%add3A_50, %dma_start3A_87] : memref<51200x16xf32, #tpu.memory_space<vmem_shared>> -> memref<1600x16xf32, #tpu.memory_space<vmem_shared>>
      tpu.enqueue_dma source(%arg12 : memref<1600x16xf32, #tpu.memory_space<vmem>>) target(%dma_start3A_88 : memref<1600x16xf32, #tpu.memory_space<vmem_shared>>) target_semaphore(%run_scoped3A : memref<!tpu.dma_semaphore, #tpu.memory_space<semaphore_mem>>)
      %dma_wait3A = arith.constant 0 : i32
      %dma_wait3A_89 = tpu.memref_slice %arg13[%add3A_50, %dma_wait3A] : memref<51200x16xf32, #tpu.memory_space<vmem_shared>> -> memref<1600x16xf32, #tpu.memory_space<vmem_shared>>
      %dma_wait3A_90 = arith.constant 0 : i32
      %dma_wait3A_91 = tpu.memref_slice %arg13[%add3A_50, %dma_wait3A_90] : memref<51200x16xf32, #tpu.memory_space<vmem_shared>> -> memref<1600x16xf32, #tpu.memory_space<vmem_shared>>
      tpu.wait_dma2 semaphore(%run_scoped3A : memref<!tpu.dma_semaphore, #tpu.memory_space<semaphore_mem>>) src(%arg12 : memref<1600x16xf32, #tpu.memory_space<vmem>>) dst(%dma_wait3A_91 : memref<1600x16xf32, #tpu.memory_space<vmem_shared>>)
      tpu.yield
    }) : () -> ()
    %barrier3A_51 = arith.constant 0 : index
    tpu.barrier barrier_id(%barrier3A_51)
    %scan3A_52 = arith.constant 0 : i32
    %scan3A_53 = arith.constant 1 : i32
    %scan3A_54 = arith.constant 0 : i32
    %scan3A_55 = arith.constant 200 : i32
    %scan3A_56 = arith.addi %scan3A_54, %scan3A_55 : i32
    %scan3A_57 = arith.constant 1 : i32
    scf.for %scan3A_86 = %scan3A_54 to %scan3A_56 step %scan3A_57  : i32 {
      %mul3A_87 = arith.constant 400000 : i32
      %mul3A_88 = arith.muli %arg1, %mul3A_87 : i32
      %mul3A_89 = arith.constant 2000 : i32
      %mul3A_90 = arith.muli %scan3A_86, %mul3A_89 : i32
      %add3A_91 = arith.addi %mul3A_88, %mul3A_90 : i32
      "tpu.region"() ({
        %run_scoped3A = tpu.sem_alloc : memref<!tpu.dma_semaphore, #tpu.memory_space<semaphore_mem>>
        %dma_start3A = tpu.memref_slice %arg2[%add3A_91] : memref<6400000xi32, #tpu.memory_space<hbm>> -> memref<2000xi32, #tpu.memory_space<hbm>>
        %dma_start3A_98 = tpu.memref_slice %arg2[%add3A_91] : memref<6400000xi32, #tpu.memory_space<hbm>> -> memref<2000xi32, #tpu.memory_space<hbm>>
        tpu.enqueue_dma source(%dma_start3A_98 : memref<2000xi32, #tpu.memory_space<hbm>>) target(%arg7 : memref<2000xi32, #tpu.memory_space<vmem>>) target_semaphore(%run_scoped3A : memref<!tpu.dma_semaphore, #tpu.memory_space<semaphore_mem>>)
        %dma_wait3A = tpu.memref_slice %arg2[%add3A_91] : memref<6400000xi32, #tpu.memory_space<hbm>> -> memref<2000xi32, #tpu.memory_space<hbm>>
        %dma_wait3A_99 = tpu.memref_slice %arg2[%add3A_91] : memref<6400000xi32, #tpu.memory_space<hbm>> -> memref<2000xi32, #tpu.memory_space<hbm>>
        tpu.wait_dma2 semaphore(%run_scoped3A : memref<!tpu.dma_semaphore, #tpu.memory_space<semaphore_mem>>) src(%dma_wait3A_99 : memref<2000xi32, #tpu.memory_space<hbm>>) dst(%arg7 : memref<2000xi32, #tpu.memory_space<vmem>>)
        tpu.yield
      }) : () -> ()
      "tpu.region"() ({
        %run_scoped3A = tpu.sem_alloc : memref<!tpu.dma_semaphore, #tpu.memory_space<semaphore_mem>>
        %dma_start3A = tpu.memref_slice %arg3[%add3A_91] : memref<6400000xi32, #tpu.memory_space<hbm>> -> memref<2000xi32, #tpu.memory_space<hbm>>
        %dma_start3A_98 = tpu.memref_slice %arg3[%add3A_91] : memref<6400000xi32, #tpu.memory_space<hbm>> -> memref<2000xi32, #tpu.memory_space<hbm>>
        tpu.enqueue_dma source(%dma_start3A_98 : memref<2000xi32, #tpu.memory_space<hbm>>) target(%arg8 : memref<2000xi32, #tpu.memory_space<vmem>>) target_semaphore(%run_scoped3A : memref<!tpu.dma_semaphore, #tpu.memory_space<semaphore_mem>>)
        %dma_wait3A = tpu.memref_slice %arg3[%add3A_91] : memref<6400000xi32, #tpu.memory_space<hbm>> -> memref<2000xi32, #tpu.memory_space<hbm>>
        %dma_wait3A_99 = tpu.memref_slice %arg3[%add3A_91] : memref<6400000xi32, #tpu.memory_space<hbm>> -> memref<2000xi32, #tpu.memory_space<hbm>>
        tpu.wait_dma2 semaphore(%run_scoped3A : memref<!tpu.dma_semaphore, #tpu.memory_space<semaphore_mem>>) src(%dma_wait3A_99 : memref<2000xi32, #tpu.memory_space<hbm>>) dst(%arg8 : memref<2000xi32, #tpu.memory_space<vmem>>)
        tpu.yield
      }) : () -> ()
      %scan3A_92 = arith.constant 0 : i32
      %scan3A_93 = arith.constant 0 : i32
      %scan3A_94 = arith.constant 125 : i32
      %scan3A_95 = arith.addi %scan3A_93, %scan3A_94 : i32
      %scan3A_96 = arith.constant 1 : i32
      scf.for %scan3A_98 = %scan3A_93 to %scan3A_95 step %scan3A_96  : i32 {
        %mul3A_99 = arith.constant 16 : i32
        %mul3A_100 = arith.muli %scan3A_98, %mul3A_99 : i32
        %multiple_of3A = tpu.assume_multiple %mul3A_100, 16 : i32
        %get3A = arith.index_cast %multiple_of3A : i32 to index
        %get3A_101 = tpu.vector_load %arg7[%get3A] {strides = array<i32>} : memref<2000xi32, #tpu.memory_space<vmem>>, vector<16xi32>,
        %get3A_102 = vector.shape_cast %get3A_101 : vector<16xi32> to vector<16xi32>
        %get3A_103 = arith.index_cast %multiple_of3A : i32 to index
        %get3A_104 = tpu.vector_load %arg8[%get3A_103] {strides = array<i32>} : memref<2000xi32, #tpu.memory_space<vmem>>, vector<16xi32>,
        %get3A_105 = vector.shape_cast %get3A_104 : vector<16xi32> to vector<16xi32>
        %ge3A = vector.broadcast %mul3A_0 : i32 to vector<16xi32>
        %ge3A_106 = arith.cmpi sge, %get3A_105, %ge3A : vector<16xi32>
        %lt3A = vector.broadcast %add3A_1 : i32 to vector<16xi32>
        %lt3A_107 = arith.cmpi slt, %get3A_105, %lt3A : vector<16xi32>
        %and3A = arith.andi %ge3A_106, %lt3A_107 : vector<16xi1>
        %jit3A = arith.constant -1 : i32
        %broadcast_in_dim3A = vector.broadcast %jit3A : i32 to vector<16xi32>
        %select_n3A = arith.select %and3A, %get3A_102, %broadcast_in_dim3A : vector<16xi1>, vector<16xi32>
        %swap3A = arith.index_cast %multiple_of3A : i32 to index
        %swap3A_108 = tpu.vector_load %arg9[%swap3A] {strides = array<i32>} : memref<2000xi32, #tpu.memory_space<vmem>>, vector<16xi32>,
        %swap3A_109 = vector.shape_cast %swap3A_108 : vector<16xi32> to vector<16xi32>
        %swap3A_110 = vector.shape_cast %select_n3A : vector<16xi32> to vector<16xi32>
        tpu.vector_store %arg9[%swap3A], %swap3A_110 {strides = array<i32>} : memref<2000xi32, #tpu.memory_space<vmem>>, vector<16xi32>,
        %sub3A = vector.broadcast %mul3A_0 : i32 to vector<16xi32>
        %sub3A_111 = arith.subi %get3A_105, %sub3A : vector<16xi32>
        %jit3A_112 = arith.constant -1 : i32
        %broadcast_in_dim3A_113 = vector.broadcast %jit3A_112 : i32 to vector<16xi32>
        %select_n3A_114 = arith.select %and3A, %sub3A_111, %broadcast_in_dim3A_113 : vector<16xi1>, vector<16xi32>
        %swap3A_115 = arith.index_cast %multiple_of3A : i32 to index
        %swap3A_116 = tpu.vector_load %arg10[%swap3A_115] {strides = array<i32>} : memref<2000xi32, #tpu.memory_space<vmem>>, vector<16xi32>,
        %swap3A_117 = vector.shape_cast %swap3A_116 : vector<16xi32> to vector<16xi32>
        %swap3A_118 = vector.shape_cast %select_n3A_114 : vector<16xi32> to vector<16xi32>
        tpu.vector_store %arg10[%swap3A_115], %swap3A_118 {strides = array<i32>} : memref<2000xi32, #tpu.memory_space<vmem>>, vector<16xi32>,
      }
      %scan3A_97 = arith.constant 125 : i32
      "tpu.region"() ({
        %run_scoped3A = tpu.sem_alloc : memref<!tpu.dma_semaphore, #tpu.memory_space<semaphore_mem>>
        %dma_start3A = arith.constant 0 : i32
        %dma_start3A_98 = arith.constant 0 : i32
        %dma_start3A_99 = tpu.memref_slice %arg4[%scan3A_53, %dma_start3A, %dma_start3A_98] : memref<2x102400x16xf32, #tpu.memory_space<hbm>> -> memref<1x102400x16xf32, #tpu.memory_space<hbm>>
        %dma_start3A_100 = tpu.memref_squeeze %dma_start3A_99 : memref<1x102400x16xf32, #tpu.memory_space<hbm>> -> memref<102400x16xf32, #tpu.memory_space<hbm>>
        %dma_start3A_101 = arith.constant 0 : i32
        %dma_start3A_102 = arith.constant 0 : i32
        %dma_start3A_103 = tpu.memref_slice %dma_start3A_100[%dma_start3A_101, %dma_start3A_102] : memref<102400x16xf32, #tpu.memory_space<hbm>> -> memref<102400x16xf32, #tpu.memory_space<hbm>>
        %dma_start3A_104 = arith.constant -1 : i32
        tpu.enqueue_indirect_dma source(%dma_start3A_103 : memref<102400x16xf32, #tpu.memory_space<hbm>>) target(%arg11 : memref<2000x16xf32, #tpu.memory_space<vmem>>) offsets(%arg9 : memref<2000xi32, #tpu.memory_space<vmem>>) offset_filter(%dma_start3A_104) semaphore(%run_scoped3A : memref<!tpu.dma_semaphore, #tpu.memory_space<semaphore_mem>>)
        %dma_wait3A = arith.constant 0 : i32
        %dma_wait3A_105 = arith.constant 0 : i32
        %dma_wait3A_106 = tpu.memref_slice %arg4[%scan3A_53, %dma_wait3A, %dma_wait3A_105] : memref<2x102400x16xf32, #tpu.memory_space<hbm>> -> memref<1x102400x16xf32, #tpu.memory_space<hbm>>
        %dma_wait3A_107 = tpu.memref_squeeze %dma_wait3A_106 : memref<1x102400x16xf32, #tpu.memory_space<hbm>> -> memref<102400x16xf32, #tpu.memory_space<hbm>>
        %dma_wait3A_108 = arith.constant 0 : i32
        %dma_wait3A_109 = arith.constant 0 : i32
        %dma_wait3A_110 = tpu.memref_slice %dma_wait3A_107[%dma_wait3A_108, %dma_wait3A_109] : memref<102400x16xf32, #tpu.memory_space<hbm>> -> memref<102400x16xf32, #tpu.memory_space<hbm>>
        tpu.wait_indirect_dma semaphore(%run_scoped3A : memref<!tpu.dma_semaphore, #tpu.memory_space<semaphore_mem>>) src(%dma_wait3A_110 : memref<102400x16xf32, #tpu.memory_space<hbm>>) dst(%arg11 : memref<2000x16xf32, #tpu.memory_space<vmem>>)
        tpu.yield
      }) : () -> ()
      "tpu.region"() ({
        %run_scoped3A = tpu.sem_alloc : memref<!tpu.dma_semaphore, #tpu.memory_space<semaphore_mem>>
        %dma_start3A = arith.constant 0 : i32
        %dma_start3A_98 = arith.constant 0 : i32
        %dma_start3A_99 = tpu.memref_slice %arg13[%dma_start3A, %dma_start3A_98] : memref<51200x16xf32, #tpu.memory_space<vmem_shared>> -> memref<51200x16xf32, #tpu.memory_space<vmem_shared>>
        %dma_start3A_100 = arith.constant -1 : i32
        tpu.enqueue_indirect_dma source(%arg11 : memref<2000x16xf32, #tpu.memory_space<vmem>>) target(%dma_start3A_99 : memref<51200x16xf32, #tpu.memory_space<vmem_shared>>) offsets(%arg10 : memref<2000xi32, #tpu.memory_space<vmem>>) offset_filter(%dma_start3A_100) semaphore(%run_scoped3A : memref<!tpu.dma_semaphore, #tpu.memory_space<semaphore_mem>>) {add = true}
        %dma_wait3A = arith.constant 0 : i32
        %dma_wait3A_101 = arith.constant 0 : i32
        %dma_wait3A_102 = tpu.memref_slice %arg13[%dma_wait3A, %dma_wait3A_101] : memref<51200x16xf32, #tpu.memory_space<vmem_shared>> -> memref<51200x16xf32, #tpu.memory_space<vmem_shared>>
        tpu.wait_indirect_dma semaphore(%run_scoped3A : memref<!tpu.dma_semaphore, #tpu.memory_space<semaphore_mem>>) src(%arg11 : memref<2000x16xf32, #tpu.memory_space<vmem>>) dst(%dma_wait3A_102 : memref<51200x16xf32, #tpu.memory_space<vmem_shared>>)
        tpu.yield
      }) : () -> ()
    }
    %scan3A_58 = arith.constant 200 : i32
    %barrier3A_59 = arith.constant 0 : index
    tpu.barrier barrier_id(%barrier3A_59)
    %mul3A_60 = arith.constant 3200 : i32
    %mul3A_61 = arith.muli %arg1, %mul3A_60 : i32
    %add3A_62 = arith.constant 0 : i32
    %add3A_63 = arith.addi %mul3A_61, %add3A_62 : i32
    "tpu.region"() ({
      %run_scoped3A = tpu.sem_alloc : memref<!tpu.dma_semaphore, #tpu.memory_space<semaphore_mem>>
      %dma_start3A = arith.constant 0 : i32
      %dma_start3A_86 = tpu.memref_slice %arg13[%add3A_63, %dma_start3A] : memref<51200x16xf32, #tpu.memory_space<vmem_shared>> -> memref<1600x16xf32, #tpu.memory_space<vmem_shared>>
      %dma_start3A_87 = arith.constant 0 : i32
      %dma_start3A_88 = tpu.memref_slice %arg13[%add3A_63, %dma_start3A_87] : memref<51200x16xf32, #tpu.memory_space<vmem_shared>> -> memref<1600x16xf32, #tpu.memory_space<vmem_shared>>
      tpu.enqueue_dma source(%dma_start3A_88 : memref<1600x16xf32, #tpu.memory_space<vmem_shared>>) target(%arg12 : memref<1600x16xf32, #tpu.memory_space<vmem>>) target_semaphore(%run_scoped3A : memref<!tpu.dma_semaphore, #tpu.memory_space<semaphore_mem>>)
      %dma_wait3A = arith.constant 0 : i32
      %dma_wait3A_89 = tpu.memref_slice %arg13[%add3A_63, %dma_wait3A] : memref<51200x16xf32, #tpu.memory_space<vmem_shared>> -> memref<1600x16xf32, #tpu.memory_space<vmem_shared>>
      %dma_wait3A_90 = arith.constant 0 : i32
      %dma_wait3A_91 = tpu.memref_slice %arg13[%add3A_63, %dma_wait3A_90] : memref<51200x16xf32, #tpu.memory_space<vmem_shared>> -> memref<1600x16xf32, #tpu.memory_space<vmem_shared>>
      tpu.wait_dma2 semaphore(%run_scoped3A : memref<!tpu.dma_semaphore, #tpu.memory_space<semaphore_mem>>) src(%dma_wait3A_91 : memref<1600x16xf32, #tpu.memory_space<vmem_shared>>) dst(%arg12 : memref<1600x16xf32, #tpu.memory_space<vmem>>)
      tpu.yield
    }) : () -> ()
    %add3A_64 = arith.constant 2 : i32
    %add3A_65 = arith.addi %add3A_64, %arg0 : i32
    %mul3A_66 = arith.constant 16 : i32
    %mul3A_67 = arith.muli %add3A_65, %mul3A_66 : i32
    %add3A_68 = arith.addi %mul3A_67, %arg1 : i32
    %mul3A_69 = arith.constant 2 : i32
    %mul3A_70 = arith.muli %add3A_68, %mul3A_69 : i32
    %add3A_71 = arith.constant 0 : i32
    %add3A_72 = arith.addi %mul3A_70, %add3A_71 : i32
    "tpu.region"() ({
      %run_scoped3A = tpu.sem_alloc : memref<!tpu.dma_semaphore, #tpu.memory_space<semaphore_mem>>
      %dma_start3A = arith.constant 0 : i32
      %dma_start3A_86 = arith.constant 0 : i32
      %dma_start3A_87 = tpu.memref_slice %arg6[%add3A_72, %dma_start3A, %dma_start3A_86] : memref<128x1600x16xf32, #tpu.memory_space<hbm>> -> memref<1x1600x16xf32, #tpu.memory_space<hbm>>
      %dma_start3A_88 = tpu.memref_squeeze %dma_start3A_87 : memref<1x1600x16xf32, #tpu.memory_space<hbm>> -> memref<1600x16xf32, #tpu.memory_space<hbm>>
      %dma_start3A_89 = arith.constant 0 : i32
      %dma_start3A_90 = arith.constant 0 : i32
      %dma_start3A_91 = tpu.memref_slice %arg6[%add3A_72, %dma_start3A_89, %dma_start3A_90] : memref<128x1600x16xf32, #tpu.memory_space<hbm>> -> memref<1x1600x16xf32, #tpu.memory_space<hbm>>
      %dma_start3A_92 = tpu.memref_squeeze %dma_start3A_91 : memref<1x1600x16xf32, #tpu.memory_space<hbm>> -> memref<1600x16xf32, #tpu.memory_space<hbm>>
      tpu.enqueue_dma source(%arg12 : memref<1600x16xf32, #tpu.memory_space<vmem>>) target(%dma_start3A_92 : memref<1600x16xf32, #tpu.memory_space<hbm>>) target_semaphore(%run_scoped3A : memref<!tpu.dma_semaphore, #tpu.memory_space<semaphore_mem>>)
      %dma_wait3A = arith.constant 0 : i32
      %dma_wait3A_93 = arith.constant 0 : i32
      %dma_wait3A_94 = tpu.memref_slice %arg6[%add3A_72, %dma_wait3A, %dma_wait3A_93] : memref<128x1600x16xf32, #tpu.memory_space<hbm>> -> memref<1x1600x16xf32, #tpu.memory_space<hbm>>
      %dma_wait3A_95 = tpu.memref_squeeze %dma_wait3A_94 : memref<1x1600x16xf32, #tpu.memory_space<hbm>> -> memref<1600x16xf32, #tpu.memory_space<hbm>>
      %dma_wait3A_96 = arith.constant 0 : i32
      %dma_wait3A_97 = arith.constant 0 : i32
      %dma_wait3A_98 = tpu.memref_slice %arg6[%add3A_72, %dma_wait3A_96, %dma_wait3A_97] : memref<128x1600x16xf32, #tpu.memory_space<hbm>> -> memref<1x1600x16xf32, #tpu.memory_space<hbm>>
      %dma_wait3A_99 = tpu.memref_squeeze %dma_wait3A_98 : memref<1x1600x16xf32, #tpu.memory_space<hbm>> -> memref<1600x16xf32, #tpu.memory_space<hbm>>
      tpu.wait_dma2 semaphore(%run_scoped3A : memref<!tpu.dma_semaphore, #tpu.memory_space<semaphore_mem>>) src(%arg12 : memref<1600x16xf32, #tpu.memory_space<vmem>>) dst(%dma_wait3A_99 : memref<1600x16xf32, #tpu.memory_space<hbm>>)
      tpu.yield
    }) : () -> ()
    %mul3A_73 = arith.constant 3200 : i32
    %mul3A_74 = arith.muli %arg1, %mul3A_73 : i32
    %add3A_75 = arith.constant 1600 : i32
    %add3A_76 = arith.addi %mul3A_74, %add3A_75 : i32
    "tpu.region"() ({
      %run_scoped3A = tpu.sem_alloc : memref<!tpu.dma_semaphore, #tpu.memory_space<semaphore_mem>>
      %dma_start3A = arith.constant 0 : i32
      %dma_start3A_86 = tpu.memref_slice %arg13[%add3A_76, %dma_start3A] : memref<51200x16xf32, #tpu.memory_space<vmem_shared>> -> memref<1600x16xf32, #tpu.memory_space<vmem_shared>>
      %dma_start3A_87 = arith.constant 0 : i32
      %dma_start3A_88 = tpu.memref_slice %arg13[%add3A_76, %dma_start3A_87] : memref<51200x16xf32, #tpu.memory_space<vmem_shared>> -> memref<1600x16xf32, #tpu.memory_space<vmem_shared>>
      tpu.enqueue_dma source(%dma_start3A_88 : memref<1600x16xf32, #tpu.memory_space<vmem_shared>>) target(%arg12 : memref<1600x16xf32, #tpu.memory_space<vmem>>) target_semaphore(%run_scoped3A : memref<!tpu.dma_semaphore, #tpu.memory_space<semaphore_mem>>)
      %dma_wait3A = arith.constant 0 : i32
      %dma_wait3A_89 = tpu.memref_slice %arg13[%add3A_76, %dma_wait3A] : memref<51200x16xf32, #tpu.memory_space<vmem_shared>> -> memref<1600x16xf32, #tpu.memory_space<vmem_shared>>
      %dma_wait3A_90 = arith.constant 0 : i32
      %dma_wait3A_91 = tpu.memref_slice %arg13[%add3A_76, %dma_wait3A_90] : memref<51200x16xf32, #tpu.memory_space<vmem_shared>> -> memref<1600x16xf32, #tpu.memory_space<vmem_shared>>
      tpu.wait_dma2 semaphore(%run_scoped3A : memref<!tpu.dma_semaphore, #tpu.memory_space<semaphore_mem>>) src(%dma_wait3A_91 : memref<1600x16xf32, #tpu.memory_space<vmem_shared>>) dst(%arg12 : memref<1600x16xf32, #tpu.memory_space<vmem>>)
      tpu.yield
    }) : () -> ()
    %add3A_77 = arith.constant 2 : i32
    %add3A_78 = arith.addi %add3A_77, %arg0 : i32
    %mul3A_79 = arith.constant 16 : i32
    %mul3A_80 = arith.muli %add3A_78, %mul3A_79 : i32
    %add3A_81 = arith.addi %mul3A_80, %arg1 : i32
    %mul3A_82 = arith.constant 2 : i32
    %mul3A_83 = arith.muli %add3A_81, %mul3A_82 : i32
    %add3A_84 = arith.constant 1 : i32
    %add3A_85 = arith.addi %mul3A_83, %add3A_84 : i32
    "tpu.region"() ({
      %run_scoped3A = tpu.sem_alloc : memref<!tpu.dma_semaphore, #tpu.memory_space<semaphore_mem>>
      %dma_start3A = arith.constant 0 : i32
      %dma_start3A_86 = arith.constant 0 : i32
      %dma_start3A_87 = tpu.memref_slice %arg6[%add3A_85, %dma_start3A, %dma_start3A_86] : memref<128x1600x16xf32, #tpu.memory_space<hbm>> -> memref<1x1600x16xf32, #tpu.memory_space<hbm>>
      %dma_start3A_88 = tpu.memref_squeeze %dma_start3A_87 : memref<1x1600x16xf32, #tpu.memory_space<hbm>> -> memref<1600x16xf32, #tpu.memory_space<hbm>>
      %dma_start3A_89 = arith.constant 0 : i32
      %dma_start3A_90 = arith.constant 0 : i32
      %dma_start3A_91 = tpu.memref_slice %arg6[%add3A_85, %dma_start3A_89, %dma_start3A_90] : memref<128x1600x16xf32, #tpu.memory_space<hbm>> -> memref<1x1600x16xf32, #tpu.memory_space<hbm>>
      %dma_start3A_92 = tpu.memref_squeeze %dma_start3A_91 : memref<1x1600x16xf32, #tpu.memory_space<hbm>> -> memref<1600x16xf32, #tpu.memory_space<hbm>>
      tpu.enqueue_dma source(%arg12 : memref<1600x16xf32, #tpu.memory_space<vmem>>) target(%dma_start3A_92 : memref<1600x16xf32, #tpu.memory_space<hbm>>) target_semaphore(%run_scoped3A : memref<!tpu.dma_semaphore, #tpu.memory_space<semaphore_mem>>)
      %dma_wait3A = arith.constant 0 : i32
      %dma_wait3A_93 = arith.constant 0 : i32
      %dma_wait3A_94 = tpu.memref_slice %arg6[%add3A_85, %dma_wait3A, %dma_wait3A_93] : memref<128x1600x16xf32, #tpu.memory_space<hbm>> -> memref<1x1600x16xf32, #tpu.memory_space<hbm>>
      %dma_wait3A_95 = tpu.memref_squeeze %dma_wait3A_94 : memref<1x1600x16xf32, #tpu.memory_space<hbm>> -> memref<1600x16xf32, #tpu.memory_space<hbm>>
      %dma_wait3A_96 = arith.constant 0 : i32
      %dma_wait3A_97 = arith.constant 0 : i32
      %dma_wait3A_98 = tpu.memref_slice %arg6[%add3A_85, %dma_wait3A_96, %dma_wait3A_97] : memref<128x1600x16xf32, #tpu.memory_space<hbm>> -> memref<1x1600x16xf32, #tpu.memory_space<hbm>>
      %dma_wait3A_99 = tpu.memref_squeeze %dma_wait3A_98 : memref<1x1600x16xf32, #tpu.memory_space<hbm>> -> memref<1600x16xf32, #tpu.memory_space<hbm>>
      tpu.wait_dma2 semaphore(%run_scoped3A : memref<!tpu.dma_semaphore, #tpu.memory_space<semaphore_mem>>) src(%arg12 : memref<1600x16xf32, #tpu.memory_space<vmem>>) dst(%dma_wait3A_99 : memref<1600x16xf32, #tpu.memory_space<hbm>>)
      tpu.yield
    }) : () -> ()
    return
  }
}

#map = affine_map<(d0, d1) -> (0)>
#map1 = affine_map<(d0, d1) -> (0, 0, 0)>
#map2 = affine_map<(d0, d1) -> (0, 0)>
module attributes {stable_mosaic.version = 14 : i64} {
  func.func @body(%arg0: i32, %arg1: i32, %arg2: memref<6400000xi32, #tpu.memory_space<hbm>>, %arg3: memref<6400000xi32, #tpu.memory_space<hbm>>, %arg4: memref<2x102400x16xf32, #tpu.memory_space<hbm>>, %arg5: memref<1600x16xf32, #tpu.memory_space<hbm>>, %arg6: memref<128x1600x16xf32, #tpu.memory_space<hbm>>, %arg7: memref<2000xi32, #tpu.memory_space<vmem>>, %arg8: memref<2000xi32, #tpu.memory_space<vmem>>, %arg9: memref<2000xi32, #tpu.memory_space<vmem>>, %arg10: memref<2000xi32, #tpu.memory_space<vmem>>, %arg11: memref<2000x16xf32, #tpu.memory_space<vmem>>, %arg12: memref<1600x16xf32, #tpu.memory_space<vmem>>, %arg13: memref<51200x16xf32, #tpu.memory_space<vmem_shared>>) attributes {dimension_semantics = [#tpu.dimension_semantics<core_parallel>, #tpu.dimension_semantics<subcore_parallel>], iteration_bounds = array<i64: 2, 16>, scalar_prefetch = 0 : i64, scratch_operands = 7 : i64, tpu.core_type = #tpu.core_type<sc_vector_subcore>, window_params = [{transform_indices = #map}, {transform_indices = #map}, {transform_indices = #map1}, {transform_indices = #map2}, {transform_indices = #map1}]} {
    %mul3A = arith.constant 51200 : i32
    %mul3A_0 = arith.muli %arg0, %mul3A : i32
    %add3A = arith.constant 51200 : i32
    %add3A_1 = arith.addi %mul3A_0, %add3A : i32
    "tpu.region"() ({
      %run_scoped3A = tpu.sem_alloc : memref<!tpu.dma_semaphore, #tpu.memory_space<semaphore_mem>>
      tpu.enqueue_dma source(%arg5 : memref<1600x16xf32, #tpu.memory_space<hbm>>) target(%arg12 : memref<1600x16xf32, #tpu.memory_space<vmem>>) target_semaphore(%run_scoped3A : memref<!tpu.dma_semaphore, #tpu.memory_space<semaphore_mem>>)
      tpu.wait_dma2 semaphore(%run_scoped3A : memref<!tpu.dma_semaphore, #tpu.memory_space<semaphore_mem>>) src(%arg5 : memref<1600x16xf32, #tpu.memory_space<hbm>>) dst(%arg12 : memref<1600x16xf32, #tpu.memory_space<vmem>>)
      tpu.yield
    }) : () -> ()
    %mul3A_2 = arith.constant 3200 : i32
    %mul3A_3 = arith.muli %arg1, %mul3A_2 : i32
    %add3A_4 = arith.constant 0 : i32
    %add3A_5 = arith.addi %mul3A_3, %add3A_4 : i32
    "tpu.region"() ({
      %run_scoped3A = tpu.sem_alloc : memref<!tpu.dma_semaphore, #tpu.memory_space<semaphore_mem>>
      %dma_start3A = arith.constant 0 : i32
      %dma_start3A_86 = tpu.memref_slice %arg13[%add3A_5, %dma_start3A] : memref<51200x16xf32, #tpu.memory_space<vmem_shared>> -> memref<1600x16xf32, #tpu.memory_space<vmem_shared>>
      %dma_start3A_87 = arith.constant 0 : i32
      %dma_start3A_88 = tpu.memref_slice %arg13[%add3A_5, %dma_start3A_87] : memref<51200x16xf32, #tpu.memory_space<vmem_shared>> -> memref<1600x16xf32, #tpu.memory_space<vmem_shared>>
      tpu.enqueue_dma source(%arg12 : memref<1600x16xf32, #tpu.memory_space<vmem>>) target(%dma_start3A_88 : memref<1600x16xf32, #tpu.memory_space<vmem_shared>>) target_semaphore(%run_scoped3A : memref<!tpu.dma_semaphore, #tpu.memory_space<semaphore_mem>>)
      %dma_wait3A = arith.constant 0 : i32
      %dma_wait3A_89 = tpu.memref_slice %arg13[%add3A_5, %dma_wait3A] : memref<51200x16xf32, #tpu.memory_space<vmem_shared>> -> memref<1600x16xf32, #tpu.memory_space<vmem_shared>>
      %dma_wait3A_90 = arith.constant 0 : i32
      %dma_wait3A_91 = tpu.memref_slice %arg13[%add3A_5, %dma_wait3A_90] : memref<51200x16xf32, #tpu.memory_space<vmem_shared>> -> memref<1600x16xf32, #tpu.memory_space<vmem_shared>>
      tpu.wait_dma2 semaphore(%run_scoped3A : memref<!tpu.dma_semaphore, #tpu.memory_space<semaphore_mem>>) src(%arg12 : memref<1600x16xf32, #tpu.memory_space<vmem>>) dst(%dma_wait3A_91 : memref<1600x16xf32, #tpu.memory_space<vmem_shared>>)
      tpu.yield
    }) : () -> ()
    %mul3A_6 = arith.constant 3200 : i32
    %mul3A_7 = arith.muli %arg1, %mul3A_6 : i32
    %add3A_8 = arith.constant 1600 : i32
    %add3A_9 = arith.addi %mul3A_7, %add3A_8 : i32
    "tpu.region"() ({
      %run_scoped3A = tpu.sem_alloc : memref<!tpu.dma_semaphore, #tpu.memory_space<semaphore_mem>>
      %dma_start3A = arith.constant 0 : i32
      %dma_start3A_86 = tpu.memref_slice %arg13[%add3A_9, %dma_start3A] : memref<51200x16xf32, #tpu.memory_space<vmem_shared>> -> memref<1600x16xf32, #tpu.memory_space<vmem_shared>>
      %dma_start3A_87 = arith.constant 0 : i32
      %dma_start3A_88 = tpu.memref_slice %arg13[%add3A_9, %dma_start3A_87] : memref<51200x16xf32, #tpu.memory_space<vmem_shared>> -> memref<1600x16xf32, #tpu.memory_space<vmem_shared>>
      tpu.enqueue_dma source(%arg12 : memref<1600x16xf32, #tpu.memory_space<vmem>>) target(%dma_start3A_88 : memref<1600x16xf32, #tpu.memory_space<vmem_shared>>) target_semaphore(%run_scoped3A : memref<!tpu.dma_semaphore, #tpu.memory_space<semaphore_mem>>)
      %dma_wait3A = arith.constant 0 : i32
      %dma_wait3A_89 = tpu.memref_slice %arg13[%add3A_9, %dma_wait3A] : memref<51200x16xf32, #tpu.memory_space<vmem_shared>> -> memref<1600x16xf32, #tpu.memory_space<vmem_shared>>
      %dma_wait3A_90 = arith.constant 0 : i32
      %dma_wait3A_91 = tpu.memref_slice %arg13[%add3A_9, %dma_wait3A_90] : memref<51200x16xf32, #tpu.memory_space<vmem_shared>> -> memref<1600x16xf32, #tpu.memory_space<vmem_shared>>
      tpu.wait_dma2 semaphore(%run_scoped3A : memref<!tpu.dma_semaphore, #tpu.memory_space<semaphore_mem>>) src(%arg12 : memref<1600x16xf32, #tpu.memory_space<vmem>>) dst(%dma_wait3A_91 : memref<1600x16xf32, #tpu.memory_space<vmem_shared>>)
      tpu.yield
    }) : () -> ()
    %barrier3A = arith.constant 0 : index
    tpu.barrier barrier_id(%barrier3A)
    %scan3A = arith.constant 0 : i32
    %scan3A_10 = arith.constant 0 : i32
    %scan3A_11 = arith.constant 0 : i32
    %scan3A_12 = arith.constant 200 : i32
    %scan3A_13 = arith.addi %scan3A_11, %scan3A_12 : i32
    %scan3A_14 = arith.constant 1 : i32
    scf.for %scan3A_86 = %scan3A_11 to %scan3A_13 step %scan3A_14  : i32 {
      %mul3A_87 = arith.constant 400000 : i32
      %mul3A_88 = arith.muli %arg1, %mul3A_87 : i32
      %mul3A_89 = arith.constant 2000 : i32
      %mul3A_90 = arith.muli %scan3A_86, %mul3A_89 : i32
      %add3A_91 = arith.addi %mul3A_88, %mul3A_90 : i32
      "tpu.region"() ({
        %run_scoped3A = tpu.sem_alloc : memref<!tpu.dma_semaphore, #tpu.memory_space<semaphore_mem>>
        %dma_start3A = tpu.memref_slice %arg2[%add3A_91] : memref<6400000xi32, #tpu.memory_space<hbm>> -> memref<2000xi32, #tpu.memory_space<hbm>>
        %dma_start3A_98 = tpu.memref_slice %arg2[%add3A_91] : memref<6400000xi32, #tpu.memory_space<hbm>> -> memref<2000xi32, #tpu.memory_space<hbm>>
        tpu.enqueue_dma source(%dma_start3A_98 : memref<2000xi32, #tpu.memory_space<hbm>>) target(%arg7 : memref<2000xi32, #tpu.memory_space<vmem>>) target_semaphore(%run_scoped3A : memref<!tpu.dma_semaphore, #tpu.memory_space<semaphore_mem>>)
        %dma_wait3A = tpu.memref_slice %arg2[%add3A_91] : memref<6400000xi32, #tpu.memory_space<hbm>> -> memref<2000xi32, #tpu.memory_space<hbm>>
        %dma_wait3A_99 = tpu.memref_slice %arg2[%add3A_91] : memref<6400000xi32, #tpu.memory_space<hbm>> -> memref<2000xi32, #tpu.memory_space<hbm>>
        tpu.wait_dma2 semaphore(%run_scoped3A : memref<!tpu.dma_semaphore, #tpu.memory_space<semaphore_mem>>) src(%dma_wait3A_99 : memref<2000xi32, #tpu.memory_space<hbm>>) dst(%arg7 : memref<2000xi32, #tpu.memory_space<vmem>>)
        tpu.yield
      }) : () -> ()
      "tpu.region"() ({
        %run_scoped3A = tpu.sem_alloc : memref<!tpu.dma_semaphore, #tpu.memory_space<semaphore_mem>>
        %dma_start3A = tpu.memref_slice %arg3[%add3A_91] : memref<6400000xi32, #tpu.memory_space<hbm>> -> memref<2000xi32, #tpu.memory_space<hbm>>
        %dma_start3A_98 = tpu.memref_slice %arg3[%add3A_91] : memref<6400000xi32, #tpu.memory_space<hbm>> -> memref<2000xi32, #tpu.memory_space<hbm>>
        tpu.enqueue_dma source(%dma_start3A_98 : memref<2000xi32, #tpu.memory_space<hbm>>) target(%arg8 : memref<2000xi32, #tpu.memory_space<vmem>>) target_semaphore(%run_scoped3A : memref<!tpu.dma_semaphore, #tpu.memory_space<semaphore_mem>>)
        %dma_wait3A = tpu.memref_slice %arg3[%add3A_91] : memref<6400000xi32, #tpu.memory_space<hbm>> -> memref<2000xi32, #tpu.memory_space<hbm>>
        %dma_wait3A_99 = tpu.memref_slice %arg3[%add3A_91] : memref<6400000xi32, #tpu.memory_space<hbm>> -> memref<2000xi32, #tpu.memory_space<hbm>>
        tpu.wait_dma2 semaphore(%run_scoped3A : memref<!tpu.dma_semaphore, #tpu.memory_space<semaphore_mem>>) src(%dma_wait3A_99 : memref<2000xi32, #tpu.memory_space<hbm>>) dst(%arg8 : memref<2000xi32, #tpu.memory_space<vmem>>)
        tpu.yield
      }) : () -> ()
      %scan3A_92 = arith.constant 0 : i32
      %scan3A_93 = arith.constant 0 : i32
      %scan3A_94 = arith.constant 125 : i32
      %scan3A_95 = arith.addi %scan3A_93, %scan3A_94 : i32
      %scan3A_96 = arith.constant 1 : i32
      scf.for %scan3A_98 = %scan3A_93 to %scan3A_95 step %scan3A_96  : i32 {
        %mul3A_99 = arith.constant 16 : i32
        %mul3A_100 = arith.muli %scan3A_98, %mul3A_99 : i32
        %multiple_of3A = tpu.assume_multiple %mul3A_100, 16 : i32
        %get3A = arith.index_cast %multiple_of3A : i32 to index
        %get3A_101 = tpu.vector_load %arg7[%get3A] {strides = array<i32>} : memref<2000xi32, #tpu.memory_space<vmem>>, vector<16xi32>,
        %get3A_102 = vector.shape_cast %get3A_101 : vector<16xi32> to vector<16xi32>
        %get3A_103 = arith.index_cast %multiple_of3A : i32 to index
        %get3A_104 = tpu.vector_load %arg8[%get3A_103] {strides = array<i32>} : memref<2000xi32, #tpu.memory_space<vmem>>, vector<16xi32>,
        %get3A_105 = vector.shape_cast %get3A_104 : vector<16xi32> to vector<16xi32>
        %ge3A = vector.broadcast %mul3A_0 : i32 to vector<16xi32>
        %ge3A_106 = arith.cmpi sge, %get3A_105, %ge3A : vector<16xi32>
        %lt3A = vector.broadcast %add3A_1 : i32 to vector<16xi32>
        %lt3A_107 = arith.cmpi slt, %get3A_105, %lt3A : vector<16xi32>
        %and3A = arith.andi %ge3A_106, %lt3A_107 : vector<16xi1>
        %jit3A = arith.constant -1 : i32
        %broadcast_in_dim3A = vector.broadcast %jit3A : i32 to vector<16xi32>
        %select_n3A = arith.select %and3A, %get3A_102, %broadcast_in_dim3A : vector<16xi1>, vector<16xi32>
        %swap3A = arith.index_cast %multiple_of3A : i32 to index
        %swap3A_108 = tpu.vector_load %arg9[%swap3A] {strides = array<i32>} : memref<2000xi32, #tpu.memory_space<vmem>>, vector<16xi32>,
        %swap3A_109 = vector.shape_cast %swap3A_108 : vector<16xi32> to vector<16xi32>
        %swap3A_110 = vector.shape_cast %select_n3A : vector<16xi32> to vector<16xi32>
        tpu.vector_store %arg9[%swap3A], %swap3A_110 {strides = array<i32>} : memref<2000xi32, #tpu.memory_space<vmem>>, vector<16xi32>,
        %sub3A = vector.broadcast %mul3A_0 : i32 to vector<16xi32>
        %sub3A_111 = arith.subi %get3A_105, %sub3A : vector<16xi32>
        %jit3A_112 = arith.constant -1 : i32
        %broadcast_in_dim3A_113 = vector.broadcast %jit3A_112 : i32 to vector<16xi32>
        %select_n3A_114 = arith.select %and3A, %sub3A_111, %broadcast_in_dim3A_113 : vector<16xi1>, vector<16xi32>
        %swap3A_115 = arith.index_cast %multiple_of3A : i32 to index
        %swap3A_116 = tpu.vector_load %arg10[%swap3A_115] {strides = array<i32>} : memref<2000xi32, #tpu.memory_space<vmem>>, vector<16xi32>,
        %swap3A_117 = vector.shape_cast %swap3A_116 : vector<16xi32> to vector<16xi32>
        %swap3A_118 = vector.shape_cast %select_n3A_114 : vector<16xi32> to vector<16xi32>
        tpu.vector_store %arg10[%swap3A_115], %swap3A_118 {strides = array<i32>} : memref<2000xi32, #tpu.memory_space<vmem>>, vector<16xi32>,
      }
      %scan3A_97 = arith.constant 125 : i32
      "tpu.region"() ({
        %run_scoped3A = tpu.sem_alloc : memref<!tpu.dma_semaphore, #tpu.memory_space<semaphore_mem>>
        %dma_start3A = arith.constant 0 : i32
        %dma_start3A_98 = arith.constant 0 : i32
        %dma_start3A_99 = tpu.memref_slice %arg4[%scan3A_10, %dma_start3A, %dma_start3A_98] : memref<2x102400x16xf32, #tpu.memory_space<hbm>> -> memref<1x102400x16xf32, #tpu.memory_space<hbm>>
        %dma_start3A_100 = tpu.memref_squeeze %dma_start3A_99 : memref<1x102400x16xf32, #tpu.memory_space<hbm>> -> memref<102400x16xf32, #tpu.memory_space<hbm>>
        %dma_start3A_101 = arith.constant 0 : i32
        %dma_start3A_102 = arith.constant 0 : i32
        %dma_start3A_103 = tpu.memref_slice %dma_start3A_100[%dma_start3A_101, %dma_start3A_102] : memref<102400x16xf32, #tpu.memory_space<hbm>> -> memref<102400x16xf32, #tpu.memory_space<hbm>>
        %dma_start3A_104 = arith.constant -1 : i32
        tpu.enqueue_indirect_dma source(%dma_start3A_103 : memref<102400x16xf32, #tpu.memory_space<hbm>>) target(%arg11 : memref<2000x16xf32, #tpu.memory_space<vmem>>) offsets(%arg9 : memref<2000xi32, #tpu.memory_space<vmem>>) offset_filter(%dma_start3A_104) semaphore(%run_scoped3A : memref<!tpu.dma_semaphore, #tpu.memory_space<semaphore_mem>>)
        %dma_wait3A = arith.constant 0 : i32
        %dma_wait3A_105 = arith.constant 0 : i32
        %dma_wait3A_106 = tpu.memref_slice %arg4[%scan3A_10, %dma_wait3A, %dma_wait3A_105] : memref<2x102400x16xf32, #tpu.memory_space<hbm>> -> memref<1x102400x16xf32, #tpu.memory_space<hbm>>
        %dma_wait3A_107 = tpu.memref_squeeze %dma_wait3A_106 : memref<1x102400x16xf32, #tpu.memory_space<hbm>> -> memref<102400x16xf32, #tpu.memory_space<hbm>>
        %dma_wait3A_108 = arith.constant 0 : i32
        %dma_wait3A_109 = arith.constant 0 : i32
        %dma_wait3A_110 = tpu.memref_slice %dma_wait3A_107[%dma_wait3A_108, %dma_wait3A_109] : memref<102400x16xf32, #tpu.memory_space<hbm>> -> memref<102400x16xf32, #tpu.memory_space<hbm>>
        tpu.wait_indirect_dma semaphore(%run_scoped3A : memref<!tpu.dma_semaphore, #tpu.memory_space<semaphore_mem>>) src(%dma_wait3A_110 : memref<102400x16xf32, #tpu.memory_space<hbm>>) dst(%arg11 : memref<2000x16xf32, #tpu.memory_space<vmem>>)
        tpu.yield
      }) : () -> ()
      "tpu.region"() ({
        %run_scoped3A = tpu.sem_alloc : memref<!tpu.dma_semaphore, #tpu.memory_space<semaphore_mem>>
        %dma_start3A = arith.constant 0 : i32
        %dma_start3A_98 = arith.constant 0 : i32
        %dma_start3A_99 = tpu.memref_slice %arg13[%dma_start3A, %dma_start3A_98] : memref<51200x16xf32, #tpu.memory_space<vmem_shared>> -> memref<51200x16xf32, #tpu.memory_space<vmem_shared>>
        %dma_start3A_100 = arith.constant -1 : i32
        tpu.enqueue_indirect_dma source(%arg11 : memref<2000x16xf32, #tpu.memory_space<vmem>>) target(%dma_start3A_99 : memref<51200x16xf32, #tpu.memory_space<vmem_shared>>) offsets(%arg10 : memref<2000xi32, #tpu.memory_space<vmem>>) offset_filter(%dma_start3A_100) semaphore(%run_scoped3A : memref<!tpu.dma_semaphore, #tpu.memory_space<semaphore_mem>>) {add = true}
        %dma_wait3A = arith.constant 0 : i32
        %dma_wait3A_101 = arith.constant 0 : i32
        %dma_wait3A_102 = tpu.memref_slice %arg13[%dma_wait3A, %dma_wait3A_101] : memref<51200x16xf32, #tpu.memory_space<vmem_shared>> -> memref<51200x16xf32, #tpu.memory_space<vmem_shared>>
        tpu.wait_indirect_dma semaphore(%run_scoped3A : memref<!tpu.dma_semaphore, #tpu.memory_space<semaphore_mem>>) src(%arg11 : memref<2000x16xf32, #tpu.memory_space<vmem>>) dst(%dma_wait3A_102 : memref<51200x16xf32, #tpu.memory_space<vmem_shared>>)
        tpu.yield
      }) : () -> ()
    }
    %scan3A_15 = arith.constant 200 : i32
    %barrier3A_16 = arith.constant 0 : index
    tpu.barrier barrier_id(%barrier3A_16)
    %mul3A_17 = arith.constant 3200 : i32
    %mul3A_18 = arith.muli %arg1, %mul3A_17 : i32
    %add3A_19 = arith.constant 0 : i32
    %add3A_20 = arith.addi %mul3A_18, %add3A_19 : i32
    "tpu.region"() ({
      %run_scoped3A = tpu.sem_alloc : memref<!tpu.dma_semaphore, #tpu.memory_space<semaphore_mem>>
      %dma_start3A = arith.constant 0 : i32
      %dma_start3A_86 = tpu.memref_slice %arg13[%add3A_20, %dma_start3A] : memref<51200x16xf32, #tpu.memory_space<vmem_shared>> -> memref<1600x16xf32, #tpu.memory_space<vmem_shared>>
      %dma_start3A_87 = arith.constant 0 : i32
      %dma_start3A_88 = tpu.memref_slice %arg13[%add3A_20, %dma_start3A_87] : memref<51200x16xf32, #tpu.memory_space<vmem_shared>> -> memref<1600x16xf32, #tpu.memory_space<vmem_shared>>
      tpu.enqueue_dma source(%dma_start3A_88 : memref<1600x16xf32, #tpu.memory_space<vmem_shared>>) target(%arg12 : memref<1600x16xf32, #tpu.memory_space<vmem>>) target_semaphore(%run_scoped3A : memref<!tpu.dma_semaphore, #tpu.memory_space<semaphore_mem>>)
      %dma_wait3A = arith.constant 0 : i32
      %dma_wait3A_89 = tpu.memref_slice %arg13[%add3A_20, %dma_wait3A] : memref<51200x16xf32, #tpu.memory_space<vmem_shared>> -> memref<1600x16xf32, #tpu.memory_space<vmem_shared>>
      %dma_wait3A_90 = arith.constant 0 : i32
      %dma_wait3A_91 = tpu.memref_slice %arg13[%add3A_20, %dma_wait3A_90] : memref<51200x16xf32, #tpu.memory_space<vmem_shared>> -> memref<1600x16xf32, #tpu.memory_space<vmem_shared>>
      tpu.wait_dma2 semaphore(%run_scoped3A : memref<!tpu.dma_semaphore, #tpu.memory_space<semaphore_mem>>) src(%dma_wait3A_91 : memref<1600x16xf32, #tpu.memory_space<vmem_shared>>) dst(%arg12 : memref<1600x16xf32, #tpu.memory_space<vmem>>)
      tpu.yield
    }) : () -> ()
    %add3A_21 = arith.constant 0 : i32
    %add3A_22 = arith.addi %add3A_21, %arg0 : i32
    %mul3A_23 = arith.constant 16 : i32
    %mul3A_24 = arith.muli %add3A_22, %mul3A_23 : i32
    %add3A_25 = arith.addi %mul3A_24, %arg1 : i32
    %mul3A_26 = arith.constant 2 : i32
    %mul3A_27 = arith.muli %add3A_25, %mul3A_26 : i32
    %add3A_28 = arith.constant 0 : i32
    %add3A_29 = arith.addi %mul3A_27, %add3A_28 : i32
    "tpu.region"() ({
      %run_scoped3A = tpu.sem_alloc : memref<!tpu.dma_semaphore, #tpu.memory_space<semaphore_mem>>
      %dma_start3A = arith.constant 0 : i32
      %dma_start3A_86 = arith.constant 0 : i32
      %dma_start3A_87 = tpu.memref_slice %arg6[%add3A_29, %dma_start3A, %dma_start3A_86] : memref<128x1600x16xf32, #tpu.memory_space<hbm>> -> memref<1x1600x16xf32, #tpu.memory_space<hbm>>
      %dma_start3A_88 = tpu.memref_squeeze %dma_start3A_87 : memref<1x1600x16xf32, #tpu.memory_space<hbm>> -> memref<1600x16xf32, #tpu.memory_space<hbm>>
      %dma_start3A_89 = arith.constant 0 : i32
      %dma_start3A_90 = arith.constant 0 : i32
      %dma_start3A_91 = tpu.memref_slice %arg6[%add3A_29, %dma_start3A_89, %dma_start3A_90] : memref<128x1600x16xf32, #tpu.memory_space<hbm>> -> memref<1x1600x16xf32, #tpu.memory_space<hbm>>
      %dma_start3A_92 = tpu.memref_squeeze %dma_start3A_91 : memref<1x1600x16xf32, #tpu.memory_space<hbm>> -> memref<1600x16xf32, #tpu.memory_space<hbm>>
      tpu.enqueue_dma source(%arg12 : memref<1600x16xf32, #tpu.memory_space<vmem>>) target(%dma_start3A_92 : memref<1600x16xf32, #tpu.memory_space<hbm>>) target_semaphore(%run_scoped3A : memref<!tpu.dma_semaphore, #tpu.memory_space<semaphore_mem>>)
      %dma_wait3A = arith.constant 0 : i32
      %dma_wait3A_93 = arith.constant 0 : i32
      %dma_wait3A_94 = tpu.memref_slice %arg6[%add3A_29, %dma_wait3A, %dma_wait3A_93] : memref<128x1600x16xf32, #tpu.memory_space<hbm>> -> memref<1x1600x16xf32, #tpu.memory_space<hbm>>
      %dma_wait3A_95 = tpu.memref_squeeze %dma_wait3A_94 : memref<1x1600x16xf32, #tpu.memory_space<hbm>> -> memref<1600x16xf32, #tpu.memory_space<hbm>>
      %dma_wait3A_96 = arith.constant 0 : i32
      %dma_wait3A_97 = arith.constant 0 : i32
      %dma_wait3A_98 = tpu.memref_slice %arg6[%add3A_29, %dma_wait3A_96, %dma_wait3A_97] : memref<128x1600x16xf32, #tpu.memory_space<hbm>> -> memref<1x1600x16xf32, #tpu.memory_space<hbm>>
      %dma_wait3A_99 = tpu.memref_squeeze %dma_wait3A_98 : memref<1x1600x16xf32, #tpu.memory_space<hbm>> -> memref<1600x16xf32, #tpu.memory_space<hbm>>
      tpu.wait_dma2 semaphore(%run_scoped3A : memref<!tpu.dma_semaphore, #tpu.memory_space<semaphore_mem>>) src(%arg12 : memref<1600x16xf32, #tpu.memory_space<vmem>>) dst(%dma_wait3A_99 : memref<1600x16xf32, #tpu.memory_space<hbm>>)
      tpu.yield
    }) : () -> ()
    %mul3A_30 = arith.constant 3200 : i32
    %mul3A_31 = arith.muli %arg1, %mul3A_30 : i32
    %add3A_32 = arith.constant 1600 : i32
    %add3A_33 = arith.addi %mul3A_31, %add3A_32 : i32
    "tpu.region"() ({
      %run_scoped3A = tpu.sem_alloc : memref<!tpu.dma_semaphore, #tpu.memory_space<semaphore_mem>>
      %dma_start3A = arith.constant 0 : i32
      %dma_start3A_86 = tpu.memref_slice %arg13[%add3A_33, %dma_start3A] : memref<51200x16xf32, #tpu.memory_space<vmem_shared>> -> memref<1600x16xf32, #tpu.memory_space<vmem_shared>>
      %dma_start3A_87 = arith.constant 0 : i32
      %dma_start3A_88 = tpu.memref_slice %arg13[%add3A_33, %dma_start3A_87] : memref<51200x16xf32, #tpu.memory_space<vmem_shared>> -> memref<1600x16xf32, #tpu.memory_space<vmem_shared>>
      tpu.enqueue_dma source(%dma_start3A_88 : memref<1600x16xf32, #tpu.memory_space<vmem_shared>>) target(%arg12 : memref<1600x16xf32, #tpu.memory_space<vmem>>) target_semaphore(%run_scoped3A : memref<!tpu.dma_semaphore, #tpu.memory_space<semaphore_mem>>)
      %dma_wait3A = arith.constant 0 : i32
      %dma_wait3A_89 = tpu.memref_slice %arg13[%add3A_33, %dma_wait3A] : memref<51200x16xf32, #tpu.memory_space<vmem_shared>> -> memref<1600x16xf32, #tpu.memory_space<vmem_shared>>
      %dma_wait3A_90 = arith.constant 0 : i32
      %dma_wait3A_91 = tpu.memref_slice %arg13[%add3A_33, %dma_wait3A_90] : memref<51200x16xf32, #tpu.memory_space<vmem_shared>> -> memref<1600x16xf32, #tpu.memory_space<vmem_shared>>
      tpu.wait_dma2 semaphore(%run_scoped3A : memref<!tpu.dma_semaphore, #tpu.memory_space<semaphore_mem>>) src(%dma_wait3A_91 : memref<1600x16xf32, #tpu.memory_space<vmem_shared>>) dst(%arg12 : memref<1600x16xf32, #tpu.memory_space<vmem>>)
      tpu.yield
    }) : () -> ()
    %add3A_34 = arith.constant 0 : i32
    %add3A_35 = arith.addi %add3A_34, %arg0 : i32
    %mul3A_36 = arith.constant 16 : i32
    %mul3A_37 = arith.muli %add3A_35, %mul3A_36 : i32
    %add3A_38 = arith.addi %mul3A_37, %arg1 : i32
    %mul3A_39 = arith.constant 2 : i32
    %mul3A_40 = arith.muli %add3A_38, %mul3A_39 : i32
    %add3A_41 = arith.constant 1 : i32
    %add3A_42 = arith.addi %mul3A_40, %add3A_41 : i32
    "tpu.region"() ({
      %run_scoped3A = tpu.sem_alloc : memref<!tpu.dma_semaphore, #tpu.memory_space<semaphore_mem>>
      %dma_start3A = arith.constant 0 : i32
      %dma_start3A_86 = arith.constant 0 : i32
      %dma_start3A_87 = tpu.memref_slice %arg6[%add3A_42, %dma_start3A, %dma_start3A_86] : memref<128x1600x16xf32, #tpu.memory_space<hbm>> -> memref<1x1600x16xf32, #tpu.memory_space<hbm>>
      %dma_start3A_88 = tpu.memref_squeeze %dma_start3A_87 : memref<1x1600x16xf32, #tpu.memory_space<hbm>> -> memref<1600x16xf32, #tpu.memory_space<hbm>>
      %dma_start3A_89 = arith.constant 0 : i32
      %dma_start3A_90 = arith.constant 0 : i32
      %dma_start3A_91 = tpu.memref_slice %arg6[%add3A_42, %dma_start3A_89, %dma_start3A_90] : memref<128x1600x16xf32, #tpu.memory_space<hbm>> -> memref<1x1600x16xf32, #tpu.memory_space<hbm>>
      %dma_start3A_92 = tpu.memref_squeeze %dma_start3A_91 : memref<1x1600x16xf32, #tpu.memory_space<hbm>> -> memref<1600x16xf32, #tpu.memory_space<hbm>>
      tpu.enqueue_dma source(%arg12 : memref<1600x16xf32, #tpu.memory_space<vmem>>) target(%dma_start3A_92 : memref<1600x16xf32, #tpu.memory_space<hbm>>) target_semaphore(%run_scoped3A : memref<!tpu.dma_semaphore, #tpu.memory_space<semaphore_mem>>)
      %dma_wait3A = arith.constant 0 : i32
      %dma_wait3A_93 = arith.constant 0 : i32
      %dma_wait3A_94 = tpu.memref_slice %arg6[%add3A_42, %dma_wait3A, %dma_wait3A_93] : memref<128x1600x16xf32, #tpu.memory_space<hbm>> -> memref<1x1600x16xf32, #tpu.memory_space<hbm>>
      %dma_wait3A_95 = tpu.memref_squeeze %dma_wait3A_94 : memref<1x1600x16xf32, #tpu.memory_space<hbm>> -> memref<1600x16xf32, #tpu.memory_space<hbm>>
      %dma_wait3A_96 = arith.constant 0 : i32
      %dma_wait3A_97 = arith.constant 0 : i32
      %dma_wait3A_98 = tpu.memref_slice %arg6[%add3A_42, %dma_wait3A_96, %dma_wait3A_97] : memref<128x1600x16xf32, #tpu.memory_space<hbm>> -> memref<1x1600x16xf32, #tpu.memory_space<hbm>>
      %dma_wait3A_99 = tpu.memref_squeeze %dma_wait3A_98 : memref<1x1600x16xf32, #tpu.memory_space<hbm>> -> memref<1600x16xf32, #tpu.memory_space<hbm>>
      tpu.wait_dma2 semaphore(%run_scoped3A : memref<!tpu.dma_semaphore, #tpu.memory_space<semaphore_mem>>) src(%arg12 : memref<1600x16xf32, #tpu.memory_space<vmem>>) dst(%dma_wait3A_99 : memref<1600x16xf32, #tpu.memory_space<hbm>>)
      tpu.yield
    }) : () -> ()
    "tpu.region"() ({
      %run_scoped3A = tpu.sem_alloc : memref<!tpu.dma_semaphore, #tpu.memory_space<semaphore_mem>>
      tpu.enqueue_dma source(%arg5 : memref<1600x16xf32, #tpu.memory_space<hbm>>) target(%arg12 : memref<1600x16xf32, #tpu.memory_space<vmem>>) target_semaphore(%run_scoped3A : memref<!tpu.dma_semaphore, #tpu.memory_space<semaphore_mem>>)
      tpu.wait_dma2 semaphore(%run_scoped3A : memref<!tpu.dma_semaphore, #tpu.memory_space<semaphore_mem>>) src(%arg5 : memref<1600x16xf32, #tpu.memory_space<hbm>>) dst(%arg12 : memref<1600x16xf32, #tpu.memory_space<vmem>>)
      tpu.yield
    }) : () -> ()
    %mul3A_43 = arith.constant 3200 : i32
    %mul3A_44 = arith.muli %arg1, %mul3A_43 : i32
    %add3A_45 = arith.constant 0 : i32
    %add3A_46 = arith.addi %mul3A_44, %add3A_45 : i32
    "tpu.region"() ({
      %run_scoped3A = tpu.sem_alloc : memref<!tpu.dma_semaphore, #tpu.memory_space<semaphore_mem>>
      %dma_start3A = arith.constant 0 : i32
      %dma_start3A_86 = tpu.memref_slice %arg13[%add3A_46, %dma_start3A] : memref<51200x16xf32, #tpu.memory_space<vmem_shared>> -> memref<1600x16xf32, #tpu.memory_space<vmem_shared>>
      %dma_start3A_87 = arith.constant 0 : i32
      %dma_start3A_88 = tpu.memref_slice %arg13[%add3A_46, %dma_start3A_87] : memref<51200x16xf32, #tpu.memory_space<vmem_shared>> -> memref<1600x16xf32, #tpu.memory_space<vmem_shared>>
      tpu.enqueue_dma source(%arg12 : memref<1600x16xf32, #tpu.memory_space<vmem>>) target(%dma_start3A_88 : memref<1600x16xf32, #tpu.memory_space<vmem_shared>>) target_semaphore(%run_scoped3A : memref<!tpu.dma_semaphore, #tpu.memory_space<semaphore_mem>>)
      %dma_wait3A = arith.constant 0 : i32
      %dma_wait3A_89 = tpu.memref_slice %arg13[%add3A_46, %dma_wait3A] : memref<51200x16xf32, #tpu.memory_space<vmem_shared>> -> memref<1600x16xf32, #tpu.memory_space<vmem_shared>>
      %dma_wait3A_90 = arith.constant 0 : i32
      %dma_wait3A_91 = tpu.memref_slice %arg13[%add3A_46, %dma_wait3A_90] : memref<51200x16xf32, #tpu.memory_space<vmem_shared>> -> memref<1600x16xf32, #tpu.memory_space<vmem_shared>>
      tpu.wait_dma2 semaphore(%run_scoped3A : memref<!tpu.dma_semaphore, #tpu.memory_space<semaphore_mem>>) src(%arg12 : memref<1600x16xf32, #tpu.memory_space<vmem>>) dst(%dma_wait3A_91 : memref<1600x16xf32, #tpu.memory_space<vmem_shared>>)
      tpu.yield
    }) : () -> ()
    %mul3A_47 = arith.constant 3200 : i32
    %mul3A_48 = arith.muli %arg1, %mul3A_47 : i32
    %add3A_49 = arith.constant 1600 : i32
    %add3A_50 = arith.addi %mul3A_48, %add3A_49 : i32
    "tpu.region"() ({
      %run_scoped3A = tpu.sem_alloc : memref<!tpu.dma_semaphore, #tpu.memory_space<semaphore_mem>>
      %dma_start3A = arith.constant 0 : i32
      %dma_start3A_86 = tpu.memref_slice %arg13[%add3A_50, %dma_start3A] : memref<51200x16xf32, #tpu.memory_space<vmem_shared>> -> memref<1600x16xf32, #tpu.memory_space<vmem_shared>>
      %dma_start3A_87 = arith.constant 0 : i32
      %dma_start3A_88 = tpu.memref_slice %arg13[%add3A_50, %dma_start3A_87] : memref<51200x16xf32, #tpu.memory_space<vmem_shared>> -> memref<1600x16xf32, #tpu.memory_space<vmem_shared>>
      tpu.enqueue_dma source(%arg12 : memref<1600x16xf32, #tpu.memory_space<vmem>>) target(%dma_start3A_88 : memref<1600x16xf32, #tpu.memory_space<vmem_shared>>) target_semaphore(%run_scoped3A : memref<!tpu.dma_semaphore, #tpu.memory_space<semaphore_mem>>)
      %dma_wait3A = arith.constant 0 : i32
      %dma_wait3A_89 = tpu.memref_slice %arg13[%add3A_50, %dma_wait3A] : memref<51200x16xf32, #tpu.memory_space<vmem_shared>> -> memref<1600x16xf32, #tpu.memory_space<vmem_shared>>
      %dma_wait3A_90 = arith.constant 0 : i32
      %dma_wait3A_91 = tpu.memref_slice %arg13[%add3A_50, %dma_wait3A_90] : memref<51200x16xf32, #tpu.memory_space<vmem_shared>> -> memref<1600x16xf32, #tpu.memory_space<vmem_shared>>
      tpu.wait_dma2 semaphore(%run_scoped3A : memref<!tpu.dma_semaphore, #tpu.memory_space<semaphore_mem>>) src(%arg12 : memref<1600x16xf32, #tpu.memory_space<vmem>>) dst(%dma_wait3A_91 : memref<1600x16xf32, #tpu.memory_space<vmem_shared>>)
      tpu.yield
    }) : () -> ()
    %barrier3A_51 = arith.constant 0 : index
    tpu.barrier barrier_id(%barrier3A_51)
    %scan3A_52 = arith.constant 0 : i32
    %scan3A_53 = arith.constant 1 : i32
    %scan3A_54 = arith.constant 0 : i32
    %scan3A_55 = arith.constant 200 : i32
    %scan3A_56 = arith.addi %scan3A_54, %scan3A_55 : i32
    %scan3A_57 = arith.constant 1 : i32
    scf.for %scan3A_86 = %scan3A_54 to %scan3A_56 step %scan3A_57  : i32 {
      %mul3A_87 = arith.constant 400000 : i32
      %mul3A_88 = arith.muli %arg1, %mul3A_87 : i32
      %mul3A_89 = arith.constant 2000 : i32
      %mul3A_90 = arith.muli %scan3A_86, %mul3A_89 : i32
      %add3A_91 = arith.addi %mul3A_88, %mul3A_90 : i32
      "tpu.region"() ({
        %run_scoped3A = tpu.sem_alloc : memref<!tpu.dma_semaphore, #tpu.memory_space<semaphore_mem>>
        %dma_start3A = tpu.memref_slice %arg2[%add3A_91] : memref<6400000xi32, #tpu.memory_space<hbm>> -> memref<2000xi32, #tpu.memory_space<hbm>>
        %dma_start3A_98 = tpu.memref_slice %arg2[%add3A_91] : memref<6400000xi32, #tpu.memory_space<hbm>> -> memref<2000xi32, #tpu.memory_space<hbm>>
        tpu.enqueue_dma source(%dma_start3A_98 : memref<2000xi32, #tpu.memory_space<hbm>>) target(%arg7 : memref<2000xi32, #tpu.memory_space<vmem>>) target_semaphore(%run_scoped3A : memref<!tpu.dma_semaphore, #tpu.memory_space<semaphore_mem>>)
        %dma_wait3A = tpu.memref_slice %arg2[%add3A_91] : memref<6400000xi32, #tpu.memory_space<hbm>> -> memref<2000xi32, #tpu.memory_space<hbm>>
        %dma_wait3A_99 = tpu.memref_slice %arg2[%add3A_91] : memref<6400000xi32, #tpu.memory_space<hbm>> -> memref<2000xi32, #tpu.memory_space<hbm>>
        tpu.wait_dma2 semaphore(%run_scoped3A : memref<!tpu.dma_semaphore, #tpu.memory_space<semaphore_mem>>) src(%dma_wait3A_99 : memref<2000xi32, #tpu.memory_space<hbm>>) dst(%arg7 : memref<2000xi32, #tpu.memory_space<vmem>>)
        tpu.yield
      }) : () -> ()
      "tpu.region"() ({
        %run_scoped3A = tpu.sem_alloc : memref<!tpu.dma_semaphore, #tpu.memory_space<semaphore_mem>>
        %dma_start3A = tpu.memref_slice %arg3[%add3A_91] : memref<6400000xi32, #tpu.memory_space<hbm>> -> memref<2000xi32, #tpu.memory_space<hbm>>
        %dma_start3A_98 = tpu.memref_slice %arg3[%add3A_91] : memref<6400000xi32, #tpu.memory_space<hbm>> -> memref<2000xi32, #tpu.memory_space<hbm>>
        tpu.enqueue_dma source(%dma_start3A_98 : memref<2000xi32, #tpu.memory_space<hbm>>) target(%arg8 : memref<2000xi32, #tpu.memory_space<vmem>>) target_semaphore(%run_scoped3A : memref<!tpu.dma_semaphore, #tpu.memory_space<semaphore_mem>>)
        %dma_wait3A = tpu.memref_slice %arg3[%add3A_91] : memref<6400000xi32, #tpu.memory_space<hbm>> -> memref<2000xi32, #tpu.memory_space<hbm>>
        %dma_wait3A_99 = tpu.memref_slice %arg3[%add3A_91] : memref<6400000xi32, #tpu.memory_space<hbm>> -> memref<2000xi32, #tpu.memory_space<hbm>>
        tpu.wait_dma2 semaphore(%run_scoped3A : memref<!tpu.dma_semaphore, #tpu.memory_space<semaphore_mem>>) src(%dma_wait3A_99 : memref<2000xi32, #tpu.memory_space<hbm>>) dst(%arg8 : memref<2000xi32, #tpu.memory_space<vmem>>)
        tpu.yield
      }) : () -> ()
      %scan3A_92 = arith.constant 0 : i32
      %scan3A_93 = arith.constant 0 : i32
      %scan3A_94 = arith.constant 125 : i32
      %scan3A_95 = arith.addi %scan3A_93, %scan3A_94 : i32
      %scan3A_96 = arith.constant 1 : i32
      scf.for %scan3A_98 = %scan3A_93 to %scan3A_95 step %scan3A_96  : i32 {
        %mul3A_99 = arith.constant 16 : i32
        %mul3A_100 = arith.muli %scan3A_98, %mul3A_99 : i32
        %multiple_of3A = tpu.assume_multiple %mul3A_100, 16 : i32
        %get3A = arith.index_cast %multiple_of3A : i32 to index
        %get3A_101 = tpu.vector_load %arg7[%get3A] {strides = array<i32>} : memref<2000xi32, #tpu.memory_space<vmem>>, vector<16xi32>,
        %get3A_102 = vector.shape_cast %get3A_101 : vector<16xi32> to vector<16xi32>
        %get3A_103 = arith.index_cast %multiple_of3A : i32 to index
        %get3A_104 = tpu.vector_load %arg8[%get3A_103] {strides = array<i32>} : memref<2000xi32, #tpu.memory_space<vmem>>, vector<16xi32>,
        %get3A_105 = vector.shape_cast %get3A_104 : vector<16xi32> to vector<16xi32>
        %ge3A = vector.broadcast %mul3A_0 : i32 to vector<16xi32>
        %ge3A_106 = arith.cmpi sge, %get3A_105, %ge3A : vector<16xi32>
        %lt3A = vector.broadcast %add3A_1 : i32 to vector<16xi32>
        %lt3A_107 = arith.cmpi slt, %get3A_105, %lt3A : vector<16xi32>
        %and3A = arith.andi %ge3A_106, %lt3A_107 : vector<16xi1>
        %jit3A = arith.constant -1 : i32
        %broadcast_in_dim3A = vector.broadcast %jit3A : i32 to vector<16xi32>
        %select_n3A = arith.select %and3A, %get3A_102, %broadcast_in_dim3A : vector<16xi1>, vector<16xi32>
        %swap3A = arith.index_cast %multiple_of3A : i32 to index
        %swap3A_108 = tpu.vector_load %arg9[%swap3A] {strides = array<i32>} : memref<2000xi32, #tpu.memory_space<vmem>>, vector<16xi32>,
        %swap3A_109 = vector.shape_cast %swap3A_108 : vector<16xi32> to vector<16xi32>
        %swap3A_110 = vector.shape_cast %select_n3A : vector<16xi32> to vector<16xi32>
        tpu.vector_store %arg9[%swap3A], %swap3A_110 {strides = array<i32>} : memref<2000xi32, #tpu.memory_space<vmem>>, vector<16xi32>,
        %sub3A = vector.broadcast %mul3A_0 : i32 to vector<16xi32>
        %sub3A_111 = arith.subi %get3A_105, %sub3A : vector<16xi32>
        %jit3A_112 = arith.constant -1 : i32
        %broadcast_in_dim3A_113 = vector.broadcast %jit3A_112 : i32 to vector<16xi32>
        %select_n3A_114 = arith.select %and3A, %sub3A_111, %broadcast_in_dim3A_113 : vector<16xi1>, vector<16xi32>
        %swap3A_115 = arith.index_cast %multiple_of3A : i32 to index
        %swap3A_116 = tpu.vector_load %arg10[%swap3A_115] {strides = array<i32>} : memref<2000xi32, #tpu.memory_space<vmem>>, vector<16xi32>,
        %swap3A_117 = vector.shape_cast %swap3A_116 : vector<16xi32> to vector<16xi32>
        %swap3A_118 = vector.shape_cast %select_n3A_114 : vector<16xi32> to vector<16xi32>
        tpu.vector_store %arg10[%swap3A_115], %swap3A_118 {strides = array<i32>} : memref<2000xi32, #tpu.memory_space<vmem>>, vector<16xi32>,
      }
      %scan3A_97 = arith.constant 125 : i32
      "tpu.region"() ({
        %run_scoped3A = tpu.sem_alloc : memref<!tpu.dma_semaphore, #tpu.memory_space<semaphore_mem>>
        %dma_start3A = arith.constant 0 : i32
        %dma_start3A_98 = arith.constant 0 : i32
        %dma_start3A_99 = tpu.memref_slice %arg4[%scan3A_53, %dma_start3A, %dma_start3A_98] : memref<2x102400x16xf32, #tpu.memory_space<hbm>> -> memref<1x102400x16xf32, #tpu.memory_space<hbm>>
        %dma_start3A_100 = tpu.memref_squeeze %dma_start3A_99 : memref<1x102400x16xf32, #tpu.memory_space<hbm>> -> memref<102400x16xf32, #tpu.memory_space<hbm>>
        %dma_start3A_101 = arith.constant 0 : i32
        %dma_start3A_102 = arith.constant 0 : i32
        %dma_start3A_103 = tpu.memref_slice %dma_start3A_100[%dma_start3A_101, %dma_start3A_102] : memref<102400x16xf32, #tpu.memory_space<hbm>> -> memref<102400x16xf32, #tpu.memory_space<hbm>>
        %dma_start3A_104 = arith.constant -1 : i32
        tpu.enqueue_indirect_dma source(%dma_start3A_103 : memref<102400x16xf32, #tpu.memory_space<hbm>>) target(%arg11 : memref<2000x16xf32, #tpu.memory_space<vmem>>) offsets(%arg9 : memref<2000xi32, #tpu.memory_space<vmem>>) offset_filter(%dma_start3A_104) semaphore(%run_scoped3A : memref<!tpu.dma_semaphore, #tpu.memory_space<semaphore_mem>>)
        %dma_wait3A = arith.constant 0 : i32
        %dma_wait3A_105 = arith.constant 0 : i32
        %dma_wait3A_106 = tpu.memref_slice %arg4[%scan3A_53, %dma_wait3A, %dma_wait3A_105] : memref<2x102400x16xf32, #tpu.memory_space<hbm>> -> memref<1x102400x16xf32, #tpu.memory_space<hbm>>
        %dma_wait3A_107 = tpu.memref_squeeze %dma_wait3A_106 : memref<1x102400x16xf32, #tpu.memory_space<hbm>> -> memref<102400x16xf32, #tpu.memory_space<hbm>>
        %dma_wait3A_108 = arith.constant 0 : i32
        %dma_wait3A_109 = arith.constant 0 : i32
        %dma_wait3A_110 = tpu.memref_slice %dma_wait3A_107[%dma_wait3A_108, %dma_wait3A_109] : memref<102400x16xf32, #tpu.memory_space<hbm>> -> memref<102400x16xf32, #tpu.memory_space<hbm>>
        tpu.wait_indirect_dma semaphore(%run_scoped3A : memref<!tpu.dma_semaphore, #tpu.memory_space<semaphore_mem>>) src(%dma_wait3A_110 : memref<102400x16xf32, #tpu.memory_space<hbm>>) dst(%arg11 : memref<2000x16xf32, #tpu.memory_space<vmem>>)
        tpu.yield
      }) : () -> ()
      "tpu.region"() ({
        %run_scoped3A = tpu.sem_alloc : memref<!tpu.dma_semaphore, #tpu.memory_space<semaphore_mem>>
        %dma_start3A = arith.constant 0 : i32
        %dma_start3A_98 = arith.constant 0 : i32
        %dma_start3A_99 = tpu.memref_slice %arg13[%dma_start3A, %dma_start3A_98] : memref<51200x16xf32, #tpu.memory_space<vmem_shared>> -> memref<51200x16xf32, #tpu.memory_space<vmem_shared>>
        %dma_start3A_100 = arith.constant -1 : i32
        tpu.enqueue_indirect_dma source(%arg11 : memref<2000x16xf32, #tpu.memory_space<vmem>>) target(%dma_start3A_99 : memref<51200x16xf32, #tpu.memory_space<vmem_shared>>) offsets(%arg10 : memref<2000xi32, #tpu.memory_space<vmem>>) offset_filter(%dma_start3A_100) semaphore(%run_scoped3A : memref<!tpu.dma_semaphore, #tpu.memory_space<semaphore_mem>>) {add = true}
        %dma_wait3A = arith.constant 0 : i32
        %dma_wait3A_101 = arith.constant 0 : i32
        %dma_wait3A_102 = tpu.memref_slice %arg13[%dma_wait3A, %dma_wait3A_101] : memref<51200x16xf32, #tpu.memory_space<vmem_shared>> -> memref<51200x16xf32, #tpu.memory_space<vmem_shared>>
        tpu.wait_indirect_dma semaphore(%run_scoped3A : memref<!tpu.dma_semaphore, #tpu.memory_space<semaphore_mem>>) src(%arg11 : memref<2000x16xf32, #tpu.memory_space<vmem>>) dst(%dma_wait3A_102 : memref<51200x16xf32, #tpu.memory_space<vmem_shared>>)
        tpu.yield
      }) : () -> ()
    }
    %scan3A_58 = arith.constant 200 : i32
    %barrier3A_59 = arith.constant 0 : index
    tpu.barrier barrier_id(%barrier3A_59)
    %mul3A_60 = arith.constant 3200 : i32
    %mul3A_61 = arith.muli %arg1, %mul3A_60 : i32
    %add3A_62 = arith.constant 0 : i32
    %add3A_63 = arith.addi %mul3A_61, %add3A_62 : i32
    "tpu.region"() ({
      %run_scoped3A = tpu.sem_alloc : memref<!tpu.dma_semaphore, #tpu.memory_space<semaphore_mem>>
      %dma_start3A = arith.constant 0 : i32
      %dma_start3A_86 = tpu.memref_slice %arg13[%add3A_63, %dma_start3A] : memref<51200x16xf32, #tpu.memory_space<vmem_shared>> -> memref<1600x16xf32, #tpu.memory_space<vmem_shared>>
      %dma_start3A_87 = arith.constant 0 : i32
      %dma_start3A_88 = tpu.memref_slice %arg13[%add3A_63, %dma_start3A_87] : memref<51200x16xf32, #tpu.memory_space<vmem_shared>> -> memref<1600x16xf32, #tpu.memory_space<vmem_shared>>
      tpu.enqueue_dma source(%dma_start3A_88 : memref<1600x16xf32, #tpu.memory_space<vmem_shared>>) target(%arg12 : memref<1600x16xf32, #tpu.memory_space<vmem>>) target_semaphore(%run_scoped3A : memref<!tpu.dma_semaphore, #tpu.memory_space<semaphore_mem>>)
      %dma_wait3A = arith.constant 0 : i32
      %dma_wait3A_89 = tpu.memref_slice %arg13[%add3A_63, %dma_wait3A] : memref<51200x16xf32, #tpu.memory_space<vmem_shared>> -> memref<1600x16xf32, #tpu.memory_space<vmem_shared>>
      %dma_wait3A_90 = arith.constant 0 : i32
      %dma_wait3A_91 = tpu.memref_slice %arg13[%add3A_63, %dma_wait3A_90] : memref<51200x16xf32, #tpu.memory_space<vmem_shared>> -> memref<1600x16xf32, #tpu.memory_space<vmem_shared>>
      tpu.wait_dma2 semaphore(%run_scoped3A : memref<!tpu.dma_semaphore, #tpu.memory_space<semaphore_mem>>) src(%dma_wait3A_91 : memref<1600x16xf32, #tpu.memory_space<vmem_shared>>) dst(%arg12 : memref<1600x16xf32, #tpu.memory_space<vmem>>)
      tpu.yield
    }) : () -> ()
    %add3A_64 = arith.constant 2 : i32
    %add3A_65 = arith.addi %add3A_64, %arg0 : i32
    %mul3A_66 = arith.constant 16 : i32
    %mul3A_67 = arith.muli %add3A_65, %mul3A_66 : i32
    %add3A_68 = arith.addi %mul3A_67, %arg1 : i32
    %mul3A_69 = arith.constant 2 : i32
    %mul3A_70 = arith.muli %add3A_68, %mul3A_69 : i32
    %add3A_71 = arith.constant 0 : i32
    %add3A_72 = arith.addi %mul3A_70, %add3A_71 : i32
    "tpu.region"() ({
      %run_scoped3A = tpu.sem_alloc : memref<!tpu.dma_semaphore, #tpu.memory_space<semaphore_mem>>
      %dma_start3A = arith.constant 0 : i32
      %dma_start3A_86 = arith.constant 0 : i32
      %dma_start3A_87 = tpu.memref_slice %arg6[%add3A_72, %dma_start3A, %dma_start3A_86] : memref<128x1600x16xf32, #tpu.memory_space<hbm>> -> memref<1x1600x16xf32, #tpu.memory_space<hbm>>
      %dma_start3A_88 = tpu.memref_squeeze %dma_start3A_87 : memref<1x1600x16xf32, #tpu.memory_space<hbm>> -> memref<1600x16xf32, #tpu.memory_space<hbm>>
      %dma_start3A_89 = arith.constant 0 : i32
      %dma_start3A_90 = arith.constant 0 : i32
      %dma_start3A_91 = tpu.memref_slice %arg6[%add3A_72, %dma_start3A_89, %dma_start3A_90] : memref<128x1600x16xf32, #tpu.memory_space<hbm>> -> memref<1x1600x16xf32, #tpu.memory_space<hbm>>
      %dma_start3A_92 = tpu.memref_squeeze %dma_start3A_91 : memref<1x1600x16xf32, #tpu.memory_space<hbm>> -> memref<1600x16xf32, #tpu.memory_space<hbm>>
      tpu.enqueue_dma source(%arg12 : memref<1600x16xf32, #tpu.memory_space<vmem>>) target(%dma_start3A_92 : memref<1600x16xf32, #tpu.memory_space<hbm>>) target_semaphore(%run_scoped3A : memref<!tpu.dma_semaphore, #tpu.memory_space<semaphore_mem>>)
      %dma_wait3A = arith.constant 0 : i32
      %dma_wait3A_93 = arith.constant 0 : i32
      %dma_wait3A_94 = tpu.memref_slice %arg6[%add3A_72, %dma_wait3A, %dma_wait3A_93] : memref<128x1600x16xf32, #tpu.memory_space<hbm>> -> memref<1x1600x16xf32, #tpu.memory_space<hbm>>
      %dma_wait3A_95 = tpu.memref_squeeze %dma_wait3A_94 : memref<1x1600x16xf32, #tpu.memory_space<hbm>> -> memref<1600x16xf32, #tpu.memory_space<hbm>>
      %dma_wait3A_96 = arith.constant 0 : i32
      %dma_wait3A_97 = arith.constant 0 : i32
      %dma_wait3A_98 = tpu.memref_slice %arg6[%add3A_72, %dma_wait3A_96, %dma_wait3A_97] : memref<128x1600x16xf32, #tpu.memory_space<hbm>> -> memref<1x1600x16xf32, #tpu.memory_space<hbm>>
      %dma_wait3A_99 = tpu.memref_squeeze %dma_wait3A_98 : memref<1x1600x16xf32, #tpu.memory_space<hbm>> -> memref<1600x16xf32, #tpu.memory_space<hbm>>
      tpu.wait_dma2 semaphore(%run_scoped3A : memref<!tpu.dma_semaphore, #tpu.memory_space<semaphore_mem>>) src(%arg12 : memref<1600x16xf32, #tpu.memory_space<vmem>>) dst(%dma_wait3A_99 : memref<1600x16xf32, #tpu.memory_space<hbm>>)
      tpu.yield
    }) : () -> ()
    %mul3A_73 = arith.constant 3200 : i32
    %mul3A_74 = arith.muli %arg1, %mul3A_73 : i32
    %add3A_75 = arith.constant 1600 : i32
    %add3A_76 = arith.addi %mul3A_74, %add3A_75 : i32
    "tpu.region"() ({
      %run_scoped3A = tpu.sem_alloc : memref<!tpu.dma_semaphore, #tpu.memory_space<semaphore_mem>>
      %dma_start3A = arith.constant 0 : i32
      %dma_start3A_86 = tpu.memref_slice %arg13[%add3A_76, %dma_start3A] : memref<51200x16xf32, #tpu.memory_space<vmem_shared>> -> memref<1600x16xf32, #tpu.memory_space<vmem_shared>>
      %dma_start3A_87 = arith.constant 0 : i32
      %dma_start3A_88 = tpu.memref_slice %arg13[%add3A_76, %dma_start3A_87] : memref<51200x16xf32, #tpu.memory_space<vmem_shared>> -> memref<1600x16xf32, #tpu.memory_space<vmem_shared>>
      tpu.enqueue_dma source(%dma_start3A_88 : memref<1600x16xf32, #tpu.memory_space<vmem_shared>>) target(%arg12 : memref<1600x16xf32, #tpu.memory_space<vmem>>) target_semaphore(%run_scoped3A : memref<!tpu.dma_semaphore, #tpu.memory_space<semaphore_mem>>)
      %dma_wait3A = arith.constant 0 : i32
      %dma_wait3A_89 = tpu.memref_slice %arg13[%add3A_76, %dma_wait3A] : memref<51200x16xf32, #tpu.memory_space<vmem_shared>> -> memref<1600x16xf32, #tpu.memory_space<vmem_shared>>
      %dma_wait3A_90 = arith.constant 0 : i32
      %dma_wait3A_91 = tpu.memref_slice %arg13[%add3A_76, %dma_wait3A_90] : memref<51200x16xf32, #tpu.memory_space<vmem_shared>> -> memref<1600x16xf32, #tpu.memory_space<vmem_shared>>
      tpu.wait_dma2 semaphore(%run_scoped3A : memref<!tpu.dma_semaphore, #tpu.memory_space<semaphore_mem>>) src(%dma_wait3A_91 : memref<1600x16xf32, #tpu.memory_space<vmem_shared>>) dst(%arg12 : memref<1600x16xf32, #tpu.memory_space<vmem>>)
      tpu.yield
    }) : () -> ()
    %add3A_77 = arith.constant 2 : i32
    %add3A_78 = arith.addi %add3A_77, %arg0 : i32
    %mul3A_79 = arith.constant 16 : i32
    %mul3A_80 = arith.muli %add3A_78, %mul3A_79 : i32
    %add3A_81 = arith.addi %mul3A_80, %arg1 : i32
    %mul3A_82 = arith.constant 2 : i32
    %mul3A_83 = arith.muli %add3A_81, %mul3A_82 : i32
    %add3A_84 = arith.constant 1 : i32
    %add3A_85 = arith.addi %mul3A_83, %add3A_84 : i32
    "tpu.region"() ({
      %run_scoped3A = tpu.sem_alloc : memref<!tpu.dma_semaphore, #tpu.memory_space<semaphore_mem>>
      %dma_start3A = arith.constant 0 : i32
      %dma_start3A_86 = arith.constant 0 : i32
      %dma_start3A_87 = tpu.memref_slice %arg6[%add3A_85, %dma_start3A, %dma_start3A_86] : memref<128x1600x16xf32, #tpu.memory_space<hbm>> -> memref<1x1600x16xf32, #tpu.memory_space<hbm>>
      %dma_start3A_88 = tpu.memref_squeeze %dma_start3A_87 : memref<1x1600x16xf32, #tpu.memory_space<hbm>> -> memref<1600x16xf32, #tpu.memory_space<hbm>>
      %dma_start3A_89 = arith.constant 0 : i32
      %dma_start3A_90 = arith.constant 0 : i32
      %dma_start3A_91 = tpu.memref_slice %arg6[%add3A_85, %dma_start3A_89, %dma_start3A_90] : memref<128x1600x16xf32, #tpu.memory_space<hbm>> -> memref<1x1600x16xf32, #tpu.memory_space<hbm>>
      %dma_start3A_92 = tpu.memref_squeeze %dma_start3A_91 : memref<1x1600x16xf32, #tpu.memory_space<hbm>> -> memref<1600x16xf32, #tpu.memory_space<hbm>>
      tpu.enqueue_dma source(%arg12 : memref<1600x16xf32, #tpu.memory_space<vmem>>) target(%dma_start3A_92 : memref<1600x16xf32, #tpu.memory_space<hbm>>) target_semaphore(%run_scoped3A : memref<!tpu.dma_semaphore, #tpu.memory_space<semaphore_mem>>)
      %dma_wait3A = arith.constant 0 : i32
      %dma_wait3A_93 = arith.constant 0 : i32
      %dma_wait3A_94 = tpu.memref_slice %arg6[%add3A_85, %dma_wait3A, %dma_wait3A_93] : memref<128x1600x16xf32, #tpu.memory_space<hbm>> -> memref<1x1600x16xf32, #tpu.memory_space<hbm>>
      %dma_wait3A_95 = tpu.memref_squeeze %dma_wait3A_94 : memref<1x1600x16xf32, #tpu.memory_space<hbm>> -> memref<1600x16xf32, #tpu.memory_space<hbm>>
      %dma_wait3A_96 = arith.constant 0 : i32
      %dma_wait3A_97 = arith.constant 0 : i32
      %dma_wait3A_98 = tpu.memref_slice %arg6[%add3A_85, %dma_wait3A_96, %dma_wait3A_97] : memref<128x1600x16xf32, #tpu.memory_space<hbm>> -> memref<1x1600x16xf32, #tpu.memory_space<hbm>>
      %dma_wait3A_99 = tpu.memref_squeeze %dma_wait3A_98 : memref<1x1600x16xf32, #tpu.memory_space<hbm>> -> memref<1600x16xf32, #tpu.memory_space<hbm>>
      tpu.wait_dma2 semaphore(%run_scoped3A : memref<!tpu.dma_semaphore, #tpu.memory_space<semaphore_mem>>) src(%arg12 : memref<1600x16xf32, #tpu.memory_space<vmem>>) dst(%dma_wait3A_99 : memref<1600x16xf32, #tpu.memory_space<hbm>>)
      tpu.yield
    }) : () -> ()
    return
  }
}

module attributes {stable_mosaic.version = 14 : i64} {
  func.func @_mid0_kernel(%arg0: i32, %arg1: memref<2x4096xf32, #tpu.memory_space<vmem>>, %arg2: memref<4096x16xf32, #tpu.memory_space<vmem>>, %arg3: memref<16x32xf32, #tpu.memory_space<vmem>>, %arg4: memref<4096x1xf32, #tpu.memory_space<vmem>>, %arg5: memref<2x4096x16xf32, #tpu.memory_space<vmem>>) attributes {dimension_semantics = [#tpu.dimension_semantics<arbitrary>], iteration_bounds = array<i64: 25>, scalar_prefetch = 0 : i64, scratch_operands = 0 : i64, tpu.core_type = #tpu.core_type<tc>, window_params = [{transform_indices = @transform_0, window_bounds = array<i64: 2, 4096>}, {transform_indices = @transform_1, window_bounds = array<i64: 4096, 16>}, {pipeline_mode = #tpu.pipeline_mode<synchronous>, transform_indices = @transform_2, window_bounds = array<i64: 16, 32>}, {transform_indices = @transform_3, window_bounds = array<i64: 4096, 1>}, {transform_indices = @transform_4, window_bounds = array<i64: 2, 4096, 16>}]} {
    %get3A = arith.constant 0 : index
    %get3A_0 = arith.constant 0 : index
    %get3A_1 = vector.load %arg1[%get3A, %get3A_0] : memref<2x4096xf32, #tpu.memory_space<vmem>>, vector<1x4096xf32>
    %get3A_2 = vector.shape_cast %get3A_1 : vector<1x4096xf32> to vector<4096xf32>
    %get3A_3 = arith.constant 1 : index
    %get3A_4 = arith.constant 0 : index
    %get3A_5 = vector.load %arg1[%get3A_3, %get3A_4] : memref<2x4096xf32, #tpu.memory_space<vmem>>, vector<1x4096xf32>
    %get3A_6 = vector.shape_cast %get3A_5 : vector<1x4096xf32> to vector<4096xf32>
    %add3A = arith.addf %get3A_2, %get3A_6 : vector<4096xf32>
    %add3A_7 = arith.constant 1.000000e+00 : f32
    %add3A_8 = vector.broadcast %add3A_7 : f32 to vector<4096xf32>
    %add3A_9 = arith.addf %add3A, %add3A_8 : vector<4096xf32>
    %rsqrt3A = math.rsqrt %add3A_9 : vector<4096xf32>
    %mul3A = arith.constant 5.000000e-01 : f32
    %mul3A_10 = vector.broadcast %mul3A : f32 to vector<4096xf32>
    %mul3A_11 = arith.mulf %mul3A_10, %add3A_9 : vector<4096xf32>
    %mul3A_12 = arith.mulf %mul3A_11, %rsqrt3A : vector<4096xf32>
    %mul3A_13 = arith.mulf %mul3A_12, %rsqrt3A : vector<4096xf32>
    %sub3A = arith.constant 1.500000e+00 : f32
    %sub3A_14 = vector.broadcast %sub3A : f32 to vector<4096xf32>
    %sub3A_15 = arith.subf %sub3A_14, %mul3A_13 : vector<4096xf32>
    %mul3A_16 = arith.mulf %rsqrt3A, %sub3A_15 : vector<4096xf32>
    %broadcast_in_dim3A = vector.shape_cast %mul3A_16 : vector<4096xf32> to vector<4096x1xf32>
    %swap3A = arith.constant 0 : index
    %swap3A_17 = arith.constant 0 : index
    %swap3A_18 = vector.load %arg4[%swap3A, %swap3A_17] : memref<4096x1xf32, #tpu.memory_space<vmem>>, vector<4096x1xf32>
    tpu.vector_store %arg4[%swap3A, %swap3A_17], %broadcast_in_dim3A {strides = array<i32>} : memref<4096x1xf32, #tpu.memory_space<vmem>>, vector<4096x1xf32>,
    %get3A_19 = arith.constant 0 : index
    %get3A_20 = arith.constant 0 : index
    %get3A_21 = vector.load %arg2[%get3A_19, %get3A_20] : memref<4096x16xf32, #tpu.memory_space<vmem>>, vector<4096x16xf32>
    %get3A_22 = arith.constant 0 : index
    %get3A_23 = arith.constant 0 : index
    %get3A_24 = vector.load %arg3[%get3A_22, %get3A_23] : memref<16x32xf32, #tpu.memory_space<vmem>>, vector<16x32xf32>
    %dot_general3A = arith.constant dense<0.000000e+00> : vector<4096x32xf32>
    %dot_general3A_25 = tpu.matmul %get3A_21, %get3A_24, %dot_general3A {dimension_numbers = #tpu.dot_dimension_numbers<[1], [0], [0], [1], [0, 0, 1, 1], [], []>, transpose_lhs_hint = false} : vector<4096x16xf32>, vector<16x32xf32>, vector<4096x32xf32> -> vector<4096x32xf32>
    %mul3A_26 = vector.broadcast %broadcast_in_dim3A : vector<4096x1xf32> to vector<4096x32xf32>
    %mul3A_27 = arith.mulf %mul3A_26, %dot_general3A_25 : vector<4096x32xf32>
    %slice3A = vector.extract_strided_slice %mul3A_27 {offsets = [0, 0], sizes = [4096, 16], strides = [1, 1]} : vector<4096x32xf32> to vector<4096x16xf32>
    %swap3A_28 = arith.constant 0 : index
    %swap3A_29 = arith.constant 0 : index
    %swap3A_30 = arith.constant 0 : index
    %swap3A_31 = vector.load %arg5[%swap3A_28, %swap3A_29, %swap3A_30] : memref<2x4096x16xf32, #tpu.memory_space<vmem>>, vector<1x4096x16xf32>
    %swap3A_32 = vector.shape_cast %swap3A_31 : vector<1x4096x16xf32> to vector<4096x16xf32>
    %swap3A_33 = vector.shape_cast %slice3A : vector<4096x16xf32> to vector<1x4096x16xf32>
    tpu.vector_store %arg5[%swap3A_28, %swap3A_29, %swap3A_30], %swap3A_33 {strides = array<i32>} : memref<2x4096x16xf32, #tpu.memory_space<vmem>>, vector<1x4096x16xf32>,
    %slice3A_34 = vector.extract_strided_slice %mul3A_27 {offsets = [0, 16], sizes = [4096, 16], strides = [1, 1]} : vector<4096x32xf32> to vector<4096x16xf32>
    %swap3A_35 = arith.constant 1 : index
    %swap3A_36 = arith.constant 0 : index
    %swap3A_37 = arith.constant 0 : index
    %swap3A_38 = vector.load %arg5[%swap3A_35, %swap3A_36, %swap3A_37] : memref<2x4096x16xf32, #tpu.memory_space<vmem>>, vector<1x4096x16xf32>
    %swap3A_39 = vector.shape_cast %swap3A_38 : vector<1x4096x16xf32> to vector<4096x16xf32>
    %swap3A_40 = vector.shape_cast %slice3A_34 : vector<4096x16xf32> to vector<1x4096x16xf32>
    tpu.vector_store %arg5[%swap3A_35, %swap3A_36, %swap3A_37], %swap3A_40 {strides = array<i32>} : memref<2x4096x16xf32, #tpu.memory_space<vmem>>, vector<1x4096x16xf32>,
    return
  }
  func.func @transform_0(%arg0: i32) -> (i32, i32) {
    %c0_i32 = arith.constant 0 : i32
    %c0_i32_0 = arith.constant 0 : i32
    return %c0_i32, %arg0 : i32, i32
  }
  func.func @transform_1(%arg0: i32) -> (i32, i32) {
    %c0_i32 = arith.constant 0 : i32
    %c0_i32_0 = arith.constant 0 : i32
    return %arg0, %c0_i32 : i32, i32
  }
  func.func @transform_2(%arg0: i32) -> (i32, i32) {
    %c0_i32 = arith.constant 0 : i32
    %c0_i32_0 = arith.constant 0 : i32
    %c0_i32_1 = arith.constant 0 : i32
    return %c0_i32, %c0_i32_0 : i32, i32
  }
  func.func @transform_3(%arg0: i32) -> (i32, i32) {
    %c0_i32 = arith.constant 0 : i32
    %c0_i32_0 = arith.constant 0 : i32
    return %arg0, %c0_i32 : i32, i32
  }
  func.func @transform_4(%arg0: i32) -> (i32, i32, i32) {
    %c0_i32 = arith.constant 0 : i32
    %c0_i32_0 = arith.constant 0 : i32
    %c0_i32_1 = arith.constant 0 : i32
    return %c0_i32, %arg0, %c0_i32_0 : i32, i32, i32
  }
}

module attributes {stable_mosaic.version = 14 : i64} {
  func.func @_mid1_kernel(%arg0: i32, %arg1: memref<2x4096x16xf32, #tpu.memory_space<vmem>>, %arg2: memref<2x4096x16xf32, #tpu.memory_space<vmem>>, %arg3: memref<4096x1xf32, #tpu.memory_space<vmem>>, %arg4: memref<32x32xf32, #tpu.memory_space<vmem>>, %arg5: memref<1x32xf32, #tpu.memory_space<vmem>>, %arg6: memref<2x4096x16xf32, #tpu.memory_space<vmem>>) attributes {dimension_semantics = [#tpu.dimension_semantics<arbitrary>], iteration_bounds = array<i64: 25>, scalar_prefetch = 0 : i64, scratch_operands = 0 : i64, tpu.core_type = #tpu.core_type<tc>, window_params = [{transform_indices = @transform_0, window_bounds = array<i64: 2, 4096, 16>}, {transform_indices = @transform_1, window_bounds = array<i64: 2, 4096, 16>}, {transform_indices = @transform_2, window_bounds = array<i64: 4096, 1>}, {pipeline_mode = #tpu.pipeline_mode<synchronous>, transform_indices = @transform_3, window_bounds = array<i64: 32, 32>}, {pipeline_mode = #tpu.pipeline_mode<synchronous>, transform_indices = @transform_4, window_bounds = array<i64: 1, 32>}, {transform_indices = @transform_5, window_bounds = array<i64: 2, 4096, 16>}]} {
    %get3A = arith.constant 0 : index
    %get3A_0 = arith.constant 0 : index
    %get3A_1 = arith.constant 0 : index
    %get3A_2 = vector.load %arg1[%get3A, %get3A_0, %get3A_1] : memref<2x4096x16xf32, #tpu.memory_space<vmem>>, vector<1x4096x16xf32>
    %get3A_3 = vector.shape_cast %get3A_2 : vector<1x4096x16xf32> to vector<4096x16xf32>
    %get3A_4 = arith.constant 0 : index
    %get3A_5 = arith.constant 0 : index
    %get3A_6 = arith.constant 0 : index
    %get3A_7 = vector.load %arg2[%get3A_4, %get3A_5, %get3A_6] : memref<2x4096x16xf32, #tpu.memory_space<vmem>>, vector<1x4096x16xf32>
    %get3A_8 = vector.shape_cast %get3A_7 : vector<1x4096x16xf32> to vector<4096x16xf32>
    %add3A = arith.addf %get3A_3, %get3A_8 : vector<4096x16xf32>
    %get3A_9 = arith.constant 1 : index
    %get3A_10 = arith.constant 0 : index
    %get3A_11 = arith.constant 0 : index
    %get3A_12 = vector.load %arg1[%get3A_9, %get3A_10, %get3A_11] : memref<2x4096x16xf32, #tpu.memory_space<vmem>>, vector<1x4096x16xf32>
    %get3A_13 = vector.shape_cast %get3A_12 : vector<1x4096x16xf32> to vector<4096x16xf32>
    %get3A_14 = arith.constant 1 : index
    %get3A_15 = arith.constant 0 : index
    %get3A_16 = arith.constant 0 : index
    %get3A_17 = vector.load %arg2[%get3A_14, %get3A_15, %get3A_16] : memref<2x4096x16xf32, #tpu.memory_space<vmem>>, vector<1x4096x16xf32>
    %get3A_18 = vector.shape_cast %get3A_17 : vector<1x4096x16xf32> to vector<4096x16xf32>
    %add3A_19 = arith.addf %get3A_13, %get3A_18 : vector<4096x16xf32>
    %concatenate3A = tpu.concatenate %add3A, %add3A_19 in 1 : vector<4096x16xf32>, vector<4096x16xf32> -> vector<4096x32xf32>
    %get3A_20 = arith.constant 0 : index
    %get3A_21 = arith.constant 0 : index
    %get3A_22 = vector.load %arg3[%get3A_20, %get3A_21] : memref<4096x1xf32, #tpu.memory_space<vmem>>, vector<4096x1xf32>
    %mul3A = vector.broadcast %get3A_22 : vector<4096x1xf32> to vector<4096x32xf32>
    %mul3A_23 = arith.mulf %concatenate3A, %mul3A : vector<4096x32xf32>
    %get3A_24 = arith.constant 0 : index
    %get3A_25 = arith.constant 0 : index
    %get3A_26 = vector.load %arg5[%get3A_24, %get3A_25] : memref<1x32xf32, #tpu.memory_space<vmem>>, vector<1x32xf32>
    %add3A_27 = vector.broadcast %get3A_26 : vector<1x32xf32> to vector<4096x32xf32>
    %add3A_28 = arith.addf %mul3A_23, %add3A_27 : vector<4096x32xf32>
    %max3A = arith.constant 0.000000e+00 : f32
    %max3A_29 = vector.broadcast %max3A : f32 to vector<4096x32xf32>
    %max3A_30 = arith.maximumf %add3A_28, %max3A_29 : vector<4096x32xf32>
    %get3A_31 = arith.constant 0 : index
    %get3A_32 = arith.constant 0 : index
    %get3A_33 = vector.load %arg4[%get3A_31, %get3A_32] : memref<32x32xf32, #tpu.memory_space<vmem>>, vector<32x32xf32>
    %dot_general3A = arith.constant dense<0.000000e+00> : vector<4096x32xf32>
    %dot_general3A_34 = tpu.matmul %max3A_30, %get3A_33, %dot_general3A {dimension_numbers = #tpu.dot_dimension_numbers<[1], [0], [0], [1], [0, 0, 1, 1], [], []>, transpose_lhs_hint = false} : vector<4096x32xf32>, vector<32x32xf32>, vector<4096x32xf32> -> vector<4096x32xf32>
    %get3A_35 = arith.constant 0 : index
    %get3A_36 = arith.constant 0 : index
    %get3A_37 = vector.load %arg3[%get3A_35, %get3A_36] : memref<4096x1xf32, #tpu.memory_space<vmem>>, vector<4096x1xf32>
    %mul3A_38 = vector.broadcast %get3A_37 : vector<4096x1xf32> to vector<4096x32xf32>
    %mul3A_39 = arith.mulf %mul3A_38, %dot_general3A_34 : vector<4096x32xf32>
    %slice3A = vector.extract_strided_slice %mul3A_39 {offsets = [0, 0], sizes = [4096, 16], strides = [1, 1]} : vector<4096x32xf32> to vector<4096x16xf32>
    %swap3A = arith.constant 0 : index
    %swap3A_40 = arith.constant 0 : index
    %swap3A_41 = arith.constant 0 : index
    %swap3A_42 = vector.load %arg6[%swap3A, %swap3A_40, %swap3A_41] : memref<2x4096x16xf32, #tpu.memory_space<vmem>>, vector<1x4096x16xf32>
    %swap3A_43 = vector.shape_cast %swap3A_42 : vector<1x4096x16xf32> to vector<4096x16xf32>
    %swap3A_44 = vector.shape_cast %slice3A : vector<4096x16xf32> to vector<1x4096x16xf32>
    tpu.vector_store %arg6[%swap3A, %swap3A_40, %swap3A_41], %swap3A_44 {strides = array<i32>} : memref<2x4096x16xf32, #tpu.memory_space<vmem>>, vector<1x4096x16xf32>,
    %slice3A_45 = vector.extract_strided_slice %mul3A_39 {offsets = [0, 16], sizes = [4096, 16], strides = [1, 1]} : vector<4096x32xf32> to vector<4096x16xf32>
    %swap3A_46 = arith.constant 1 : index
    %swap3A_47 = arith.constant 0 : index
    %swap3A_48 = arith.constant 0 : index
    %swap3A_49 = vector.load %arg6[%swap3A_46, %swap3A_47, %swap3A_48] : memref<2x4096x16xf32, #tpu.memory_space<vmem>>, vector<1x4096x16xf32>
    %swap3A_50 = vector.shape_cast %swap3A_49 : vector<1x4096x16xf32> to vector<4096x16xf32>
    %swap3A_51 = vector.shape_cast %slice3A_45 : vector<4096x16xf32> to vector<1x4096x16xf32>
    tpu.vector_store %arg6[%swap3A_46, %swap3A_47, %swap3A_48], %swap3A_51 {strides = array<i32>} : memref<2x4096x16xf32, #tpu.memory_space<vmem>>, vector<1x4096x16xf32>,
    return
  }
  func.func @transform_0(%arg0: i32) -> (i32, i32, i32) {
    %c0_i32 = arith.constant 0 : i32
    %c0_i32_0 = arith.constant 0 : i32
    %c0_i32_1 = arith.constant 0 : i32
    return %c0_i32, %arg0, %c0_i32_0 : i32, i32, i32
  }
  func.func @transform_1(%arg0: i32) -> (i32, i32, i32) {
    %c0_i32 = arith.constant 0 : i32
    %c0_i32_0 = arith.constant 0 : i32
    %c0_i32_1 = arith.constant 0 : i32
    return %c0_i32, %arg0, %c0_i32_0 : i32, i32, i32
  }
  func.func @transform_2(%arg0: i32) -> (i32, i32) {
    %c0_i32 = arith.constant 0 : i32
    %c0_i32_0 = arith.constant 0 : i32
    return %arg0, %c0_i32 : i32, i32
  }
  func.func @transform_3(%arg0: i32) -> (i32, i32) {
    %c0_i32 = arith.constant 0 : i32
    %c0_i32_0 = arith.constant 0 : i32
    %c0_i32_1 = arith.constant 0 : i32
    return %c0_i32, %c0_i32_0 : i32, i32
  }
  func.func @transform_4(%arg0: i32) -> (i32, i32) {
    %c0_i32 = arith.constant 0 : i32
    %c0_i32_0 = arith.constant 0 : i32
    %c0_i32_1 = arith.constant 0 : i32
    return %c0_i32, %c0_i32_0 : i32, i32
  }
  func.func @transform_5(%arg0: i32) -> (i32, i32, i32) {
    %c0_i32 = arith.constant 0 : i32
    %c0_i32_0 = arith.constant 0 : i32
    %c0_i32_1 = arith.constant 0 : i32
    return %c0_i32, %arg0, %c0_i32_0 : i32, i32, i32
  }
}

module attributes {stable_mosaic.version = 14 : i64} {
  func.func @_final_kernel(%arg0: i32, %arg1: memref<2x2048x16xf32, #tpu.memory_space<vmem>>, %arg2: memref<2x2048x16xf32, #tpu.memory_space<vmem>>, %arg3: memref<2048x1xf32, #tpu.memory_space<vmem>>, %arg4: memref<1x32xf32, #tpu.memory_space<vmem>>, %arg5: memref<2048x1xi32, #tpu.memory_space<vmem>>, %arg6: memref<32x1xf32, #tpu.memory_space<vmem>>, %arg7: memref<1x1xf32, #tpu.memory_space<vmem>>, %arg8: memref<64x1xf32, #tpu.memory_space<vmem>>, %arg9: memref<64x32xf32, #tpu.memory_space<vmem>>, %arg10: memref<64x1xf32, #tpu.memory_space<vmem>>) attributes {dimension_semantics = [#tpu.dimension_semantics<arbitrary>], iteration_bounds = array<i64: 50>, scalar_prefetch = 0 : i64, scratch_operands = 2 : i64, tpu.core_type = #tpu.core_type<tc>, window_params = [{transform_indices = @transform_0, window_bounds = array<i64: 2, 2048, 16>}, {transform_indices = @transform_1, window_bounds = array<i64: 2, 2048, 16>}, {transform_indices = @transform_2, window_bounds = array<i64: 2048, 1>}, {pipeline_mode = #tpu.pipeline_mode<synchronous>, transform_indices = @transform_3, window_bounds = array<i64: 1, 32>}, {transform_indices = @transform_4, window_bounds = array<i64: 2048, 1>}, {pipeline_mode = #tpu.pipeline_mode<synchronous>, transform_indices = @transform_5, window_bounds = array<i64: 32, 1>}, {pipeline_mode = #tpu.pipeline_mode<synchronous>, transform_indices = @transform_6, window_bounds = array<i64: 1, 1>}, {pipeline_mode = #tpu.pipeline_mode<synchronous>, transform_indices = @transform_7, window_bounds = array<i64: 64, 1>}]} {
    %eq3A = arith.constant 0 : i32
    %eq3A_0 = arith.cmpi eq, %arg0, %eq3A : i32
    %convert_element_type3A = arith.extui %eq3A_0 : i1 to i32
    %cond3A = arith.constant 0 : i32
    %cond3A_1 = arith.cmpi ne, %convert_element_type3A, %cond3A : i32
    scf.if %cond3A_1 {
      %broadcast_in_dim3A_62 = arith.constant 0.000000e+00 : f32
      %broadcast_in_dim3A_63 = vector.broadcast %broadcast_in_dim3A_62 : f32 to vector<64x32xf32>
      %swap3A_64 = arith.constant 0 : index
      %swap3A_65 = arith.constant 0 : index
      %swap3A_66 = vector.load %arg9[%swap3A_64, %swap3A_65] : memref<64x32xf32, #tpu.memory_space<vmem>>, vector<64x32xf32>
      tpu.vector_store %arg9[%swap3A_64, %swap3A_65], %broadcast_in_dim3A_63 {strides = array<i32>} : memref<64x32xf32, #tpu.memory_space<vmem>>, vector<64x32xf32>,
      %broadcast_in_dim3A_67 = arith.constant 0.000000e+00 : f32
      %broadcast_in_dim3A_68 = vector.broadcast %broadcast_in_dim3A_67 : f32 to vector<64x1xf32>
      %swap3A_69 = arith.constant 0 : index
      %swap3A_70 = arith.constant 0 : index
      %swap3A_71 = vector.load %arg10[%swap3A_69, %swap3A_70] : memref<64x1xf32, #tpu.memory_space<vmem>>, vector<64x1xf32>
      tpu.vector_store %arg10[%swap3A_69, %swap3A_70], %broadcast_in_dim3A_68 {strides = array<i32>} : memref<64x1xf32, #tpu.memory_space<vmem>>, vector<64x1xf32>,
    } else {
    }
    %get3A = arith.constant 0 : index
    %get3A_2 = arith.constant 0 : index
    %get3A_3 = arith.constant 0 : index
    %get3A_4 = vector.load %arg1[%get3A, %get3A_2, %get3A_3] : memref<2x2048x16xf32, #tpu.memory_space<vmem>>, vector<1x2048x16xf32>
    %get3A_5 = vector.shape_cast %get3A_4 : vector<1x2048x16xf32> to vector<2048x16xf32>
    %get3A_6 = arith.constant 0 : index
    %get3A_7 = arith.constant 0 : index
    %get3A_8 = arith.constant 0 : index
    %get3A_9 = vector.load %arg2[%get3A_6, %get3A_7, %get3A_8] : memref<2x2048x16xf32, #tpu.memory_space<vmem>>, vector<1x2048x16xf32>
    %get3A_10 = vector.shape_cast %get3A_9 : vector<1x2048x16xf32> to vector<2048x16xf32>
    %add3A = arith.addf %get3A_5, %get3A_10 : vector<2048x16xf32>
    %get3A_11 = arith.constant 1 : index
    %get3A_12 = arith.constant 0 : index
    %get3A_13 = arith.constant 0 : index
    %get3A_14 = vector.load %arg1[%get3A_11, %get3A_12, %get3A_13] : memref<2x2048x16xf32, #tpu.memory_space<vmem>>, vector<1x2048x16xf32>
    %get3A_15 = vector.shape_cast %get3A_14 : vector<1x2048x16xf32> to vector<2048x16xf32>
    %get3A_16 = arith.constant 1 : index
    %get3A_17 = arith.constant 0 : index
    %get3A_18 = arith.constant 0 : index
    %get3A_19 = vector.load %arg2[%get3A_16, %get3A_17, %get3A_18] : memref<2x2048x16xf32, #tpu.memory_space<vmem>>, vector<1x2048x16xf32>
    %get3A_20 = vector.shape_cast %get3A_19 : vector<1x2048x16xf32> to vector<2048x16xf32>
    %add3A_21 = arith.addf %get3A_15, %get3A_20 : vector<2048x16xf32>
    %concatenate3A = tpu.concatenate %add3A, %add3A_21 in 1 : vector<2048x16xf32>, vector<2048x16xf32> -> vector<2048x32xf32>
    %get3A_22 = arith.constant 0 : index
    %get3A_23 = arith.constant 0 : index
    %get3A_24 = vector.load %arg3[%get3A_22, %get3A_23] : memref<2048x1xf32, #tpu.memory_space<vmem>>, vector<2048x1xf32>
    %mul3A = vector.broadcast %get3A_24 : vector<2048x1xf32> to vector<2048x32xf32>
    %mul3A_25 = arith.mulf %concatenate3A, %mul3A : vector<2048x32xf32>
    %get3A_26 = arith.constant 0 : index
    %get3A_27 = arith.constant 0 : index
    %get3A_28 = vector.load %arg4[%get3A_26, %get3A_27] : memref<1x32xf32, #tpu.memory_space<vmem>>, vector<1x32xf32>
    %add3A_29 = vector.broadcast %get3A_28 : vector<1x32xf32> to vector<2048x32xf32>
    %add3A_30 = arith.addf %mul3A_25, %add3A_29 : vector<2048x32xf32>
    %max3A = arith.constant 0.000000e+00 : f32
    %max3A_31 = vector.broadcast %max3A : f32 to vector<2048x32xf32>
    %max3A_32 = arith.maximumf %add3A_30, %max3A_31 : vector<2048x32xf32>
    %get3A_33 = arith.constant 0 : index
    %get3A_34 = arith.constant 0 : index
    %get3A_35 = vector.load %arg5[%get3A_33, %get3A_34] : memref<2048x1xi32, #tpu.memory_space<vmem>>, vector<2048x1xi32>
    %iota3A = tpu.iota {dimensions = array<i32: 1>} : vector<2048x64xi32>
    %eq3A_36 = vector.broadcast %get3A_35 : vector<2048x1xi32> to vector<2048x64xi32>
    %eq3A_37 = arith.cmpi eq, %eq3A_36, %iota3A : vector<2048x64xi32>
    %convert_element_type3A_38 = arith.extui %eq3A_37 : vector<2048x64xi1> to vector<2048x64xi32>
    %convert_element_type3A_39 = arith.sitofp %convert_element_type3A_38 : vector<2048x64xi32> to vector<2048x64xf32>
    %get3A_40 = arith.constant 0 : index
    %get3A_41 = arith.constant 0 : index
    %get3A_42 = vector.load %arg9[%get3A_40, %get3A_41] : memref<64x32xf32, #tpu.memory_space<vmem>>, vector<64x32xf32>
    %dot_general3A = arith.constant dense<0.000000e+00> : vector<64x32xf32>
    %dot_general3A_43 = tpu.matmul %convert_element_type3A_39, %max3A_32, %dot_general3A {dimension_numbers = #tpu.dot_dimension_numbers<[0], [0], [1], [1], [0, 1, 1, 1], [], []>, precision = #tpu.contract_precision<fp32>, transpose_lhs_hint = false} : vector<2048x64xf32>, vector<2048x32xf32>, vector<64x32xf32> -> vector<64x32xf32>
    %add3A_44 = arith.addf %get3A_42, %dot_general3A_43 : vector<64x32xf32>
    %swap3A = arith.constant 0 : index
    %swap3A_45 = arith.constant 0 : index
    %swap3A_46 = vector.load %arg9[%swap3A, %swap3A_45] : memref<64x32xf32, #tpu.memory_space<vmem>>, vector<64x32xf32>
    tpu.vector_store %arg9[%swap3A, %swap3A_45], %add3A_44 {strides = array<i32>} : memref<64x32xf32, #tpu.memory_space<vmem>>, vector<64x32xf32>,
    %broadcast_in_dim3A = arith.constant 1.000000e+00 : f32
    %broadcast_in_dim3A_47 = vector.broadcast %broadcast_in_dim3A : f32 to vector<2048x1xf32>
    %get3A_48 = arith.constant 0 : index
    %get3A_49 = arith.constant 0 : index
    %get3A_50 = vector.load %arg10[%get3A_48, %get3A_49] : memref<64x1xf32, #tpu.memory_space<vmem>>, vector<64x1xf32>
    %dot_general3A_51 = arith.constant dense<0.000000e+00> : vector<64x1xf32>
    %dot_general3A_52 = tpu.matmul %convert_element_type3A_39, %broadcast_in_dim3A_47, %dot_general3A_51 {dimension_numbers = #tpu.dot_dimension_numbers<[0], [0], [1], [1], [0, 1, 1, 1], [], []>, precision = #tpu.contract_precision<fp32>, transpose_lhs_hint = false} : vector<2048x64xf32>, vector<2048x1xf32>, vector<64x1xf32> -> vector<64x1xf32>
    %add3A_53 = arith.addf %get3A_50, %dot_general3A_52 : vector<64x1xf32>
    %swap3A_54 = arith.constant 0 : index
    %swap3A_55 = arith.constant 0 : index
    %swap3A_56 = vector.load %arg10[%swap3A_54, %swap3A_55] : memref<64x1xf32, #tpu.memory_space<vmem>>, vector<64x1xf32>
    tpu.vector_store %arg10[%swap3A_54, %swap3A_55], %add3A_53 {strides = array<i32>} : memref<64x1xf32, #tpu.memory_space<vmem>>, vector<64x1xf32>,
    %eq3A_57 = arith.constant 49 : i32
    %eq3A_58 = arith.cmpi eq, %arg0, %eq3A_57 : i32
    %convert_element_type3A_59 = arith.extui %eq3A_58 : i1 to i32
    %cond3A_60 = arith.constant 0 : i32
    %cond3A_61 = arith.cmpi ne, %convert_element_type3A_59, %cond3A_60 : i32
    scf.if %cond3A_61 {
      %get3A_62 = arith.constant 0 : index
      %get3A_63 = arith.constant 0 : index
      %get3A_64 = vector.load %arg9[%get3A_62, %get3A_63] : memref<64x32xf32, #tpu.memory_space<vmem>>, vector<64x32xf32>
      %get3A_65 = arith.constant 0 : index
      %get3A_66 = arith.constant 0 : index
      %get3A_67 = vector.load %arg10[%get3A_65, %get3A_66] : memref<64x1xf32, #tpu.memory_space<vmem>>, vector<64x1xf32>
      %max3A_68 = arith.constant 1.000000e+00 : f32
      %max3A_69 = vector.broadcast %max3A_68 : f32 to vector<64x1xf32>
      %max3A_70 = arith.maximumf %get3A_67, %max3A_69 : vector<64x1xf32>
      %div3A = vector.broadcast %max3A_70 : vector<64x1xf32> to vector<64x32xf32>
      %div3A_71 = arith.divf %get3A_64, %div3A : vector<64x32xf32>
      %get3A_72 = arith.constant 0 : index
      %get3A_73 = arith.constant 0 : index
      %get3A_74 = vector.load %arg6[%get3A_72, %get3A_73] : memref<32x1xf32, #tpu.memory_space<vmem>>, vector<32x1xf32>
      %dot_general3A_75 = arith.constant dense<0.000000e+00> : vector<64x1xf32>
      %dot_general3A_76 = tpu.matmul %div3A_71, %get3A_74, %dot_general3A_75 {dimension_numbers = #tpu.dot_dimension_numbers<[1], [0], [0], [1], [0, 0, 1, 1], [], []>, transpose_lhs_hint = false} : vector<64x32xf32>, vector<32x1xf32>, vector<64x1xf32> -> vector<64x1xf32>
      %get3A_77 = arith.constant 0 : index
      %get3A_78 = arith.constant 0 : index
      %get3A_79 = vector.load %arg7[%get3A_77, %get3A_78] : memref<1x1xf32, #tpu.memory_space<vmem>>, vector<1x1xf32>
      %add3A_80 = vector.broadcast %get3A_79 : vector<1x1xf32> to vector<64x1xf32>
      %add3A_81 = arith.addf %dot_general3A_76, %add3A_80 : vector<64x1xf32>
      %swap3A_82 = arith.constant 0 : index
      %swap3A_83 = arith.constant 0 : index
      %swap3A_84 = vector.load %arg8[%swap3A_82, %swap3A_83] : memref<64x1xf32, #tpu.memory_space<vmem>>, vector<64x1xf32>
      tpu.vector_store %arg8[%swap3A_82, %swap3A_83], %add3A_81 {strides = array<i32>} : memref<64x1xf32, #tpu.memory_space<vmem>>, vector<64x1xf32>,
    } else {
    }
    return
  }
  func.func @transform_0(%arg0: i32) -> (i32, i32, i32) {
    %c0_i32 = arith.constant 0 : i32
    %c0_i32_0 = arith.constant 0 : i32
    %c0_i32_1 = arith.constant 0 : i32
    return %c0_i32, %arg0, %c0_i32_0 : i32, i32, i32
  }
  func.func @transform_1(%arg0: i32) -> (i32, i32, i32) {
    %c0_i32 = arith.constant 0 : i32
    %c0_i32_0 = arith.constant 0 : i32
    %c0_i32_1 = arith.constant 0 : i32
    return %c0_i32, %arg0, %c0_i32_0 : i32, i32, i32
  }
  func.func @transform_2(%arg0: i32) -> (i32, i32) {
    %c0_i32 = arith.constant 0 : i32
    %c0_i32_0 = arith.constant 0 : i32
    return %arg0, %c0_i32 : i32, i32
  }
  func.func @transform_3(%arg0: i32) -> (i32, i32) {
    %c0_i32 = arith.constant 0 : i32
    %c0_i32_0 = arith.constant 0 : i32
    %c0_i32_1 = arith.constant 0 : i32
    return %c0_i32, %c0_i32_0 : i32, i32
  }
  func.func @transform_4(%arg0: i32) -> (i32, i32) {
    %c0_i32 = arith.constant 0 : i32
    %c0_i32_0 = arith.constant 0 : i32
    return %arg0, %c0_i32 : i32, i32
  }
  func.func @transform_5(%arg0: i32) -> (i32, i32) {
    %c0_i32 = arith.constant 0 : i32
    %c0_i32_0 = arith.constant 0 : i32
    %c0_i32_1 = arith.constant 0 : i32
    return %c0_i32, %c0_i32_0 : i32, i32
  }
  func.func @transform_6(%arg0: i32) -> (i32, i32) {
    %c0_i32 = arith.constant 0 : i32
    %c0_i32_0 = arith.constant 0 : i32
    %c0_i32_1 = arith.constant 0 : i32
    return %c0_i32, %c0_i32_0 : i32, i32
  }
  func.func @transform_7(%arg0: i32) -> (i32, i32) {
    %c0_i32 = arith.constant 0 : i32
    %c0_i32_0 = arith.constant 0 : i32
    %c0_i32_1 = arith.constant 0 : i32
    return %c0_i32, %c0_i32_0 : i32, i32
  }
}

</mosaic_0001>

<sc_bundles>
// kernel: kernel.11.cloned.1.call-start
scs
__scs_entry_jumppad:
0x0: {  	(pc) =	sbr.rel $0x88, $3  }
0x1: {  	(tag) =	ssettag $0x0;
	lr =	simm.s32 $0x1  }
0x2: {  	[smem:$0x3F98] =	sst lr;
	_ =	strace $0xD0000000  }
0x3: {  	_ = 	snop  }
0x4: {  	_ = 	snop  }
0x5: {  	_ = 	snop  }
0x6: {  	_ = 	snop  }
0x7: {  	_ = 	snop  }
__scs_overlays_trampoline_lowered:
0x8: {  	[smem:$0x3FA7] =	sst s0  }
0x9: {  	[smem:$0x3FA8] =	sst s1  }
0xa: {  	[smem:$0x3FA9] =	sst s2  }
0xb: {  	[smem:$0x3FAA] =	sst s3  }
0xc: {  	[smem:$0x3FAB] =	sst s4  }
0xd: {  	[smem:$0x3FAC] =	sst s5  }
0xe: {  	[smem:$0x3FAD] =	sst s6  }
0xf: {  	[smem:$0x3FAE] =	sst s7  }
0x10: {  	[smem:$0x3FAF] =	sst s8  }
0x11: {  	[smem:$0x3FB0] =	sst s9;
	s0 =	simm.s32 @!p0 $0x0  }
0x12: {  	s1 =	sld [smem:$0x3F96];
	s0 =	simm.s32 @p0 $0x1  }
0x13: {  	[smem:$0x3FB1] =	sst s0;
	s0 =	simm.s32 @!p1 $0x0  }
0x14: {  	s2 =	sld [smem:$0x3F95];
	s0 =	simm.s32 @p1 $0x1  }
0x15: {  	[smem:$0x3FB2] =	sst s0;
	s0 =	simm.s32 @!p2 $0x0  }
0x16: {  	s3 =	sld [smem:$0x3FDB];
	s0 =	simm.s32 @p2 $0x1  }
0x17: {  	s4 =	simm.s32 $0x1BF5;
	[smem:$0x3FB4] =	sst s0  }
0x18: {  	s0 =	sld [smem:$0x3F97];
	_ =	swait.ge [sflag:s4], $0x0  }
0x19: {  	s7 =	sld [smem:$0x3F98]  }
0x1a: {  	s8 =	sadd.s32 $0xFFFFE003, lr  }
0x1b: {  	s9 =	sadd.s32 $0xFFFFFEF7, lr;
	s5 =	simm.s32 $0xFFFFFFFF;
	p2 =	slt.u32 s8, $0xFFFFF086  }
0x1c: {  	p1 =	slt.u32 s9, $0xF7A;
	s5 =	simm.s32 @!p2 $0x0  }
0x1d: {  	s5 =	simm.s32 @p1 $0x1;
	p0 =	seq.s32 s7, s2  }
0x1e: {  	s7 =	smul.u32 @!p0 $0xF7A, s2;
	p2 =	seq.s32 @!p0 s5, $0x0  }
0x1f: {  	s9 =	smul.u32 $0xF7A, s1;
	s8 =	simm.s32 @!p0 $0x1BF5;
	p2 =	por !p2, p0  }
0x20: {  	[sflag:s8] =	ssyncset.s32 @!p0 $0xFFFFF086;
	s6 =	sadd.s32 @!p0 s3, s7;
	s7 =	simm.s32 @!p0 $0x108  }
0x21: {  	s3 =	sadd.s32 s3, s9;
	s6 =	sadd.s32 @!p0 $0x88, s6;
	s7 =	simm.s32 @p2 $0x1082  }
0x22: {  	[simem:s7], [sflag:s8] =	dma.local @!p0 [hbm:s6], $0xF7A  }
0x23: {  	s9 =	sor.u32 $0xD0000000, s2;
	s6 =	simm.s32 $0x108;
	_ =	swait.ge @!p0 [sflag:s8], $0x0  }
0x24: {  	s3 =	sadd.s32 $0x88, s3;
	s6 =	simm.s32 @!p1 $0x1082;
	[sflag:s4] =	ssyncset.s32 $0xFFFFF086  }
0x25: {  	[simem:s6], [sflag:s4] =	dma.local [hbm:s3], $0xF7A  }
0x26: {  	[smem:$0x3F98] =	sst s1;
	(tag) =	ssettag s2;
	_ =	strace s9  }
0x27: {  	s1 =	sld [smem:$0x3FA8]  }
0x28: {  	s2 =	sld [smem:$0x3FA9]  }
0x29: {  	s4 =	sld [smem:$0x3FAB]  }
0x2a: {  	p0 =	seq.s32 s5, $0x0;
	s5 =	sld [smem:$0x3FAC]  }
0x2b: {  	s6 =	sld [smem:$0x3FAD]  }
0x2c: {  	s7 =	sld [smem:$0x3FAE]  }
0x2d: {  	s3 =	simm.s32 $0x108;
	s8 =	sld [smem:$0x3FAF]  }
0x2e: {  	s3 =	simm.s32 @!p0 $0x1082;
	s9 =	sld [smem:$0x3FB0]  }
0x2f: {  	lr =	sadd.s32 s0, s3;
	s0 =	sld [smem:$0x3FA7]  }
0x30: {  	s3 =	sld [smem:$0x3FAA]  }
0x31: {  	[smem:$0x3FB3] =	sst s10  }
0x32: {  	s10 =	sld [smem:$0x3FB1];
	_ =	sdelay $0x3  }
0x33: {  	p0 =	seq.s32 s10, $0x1;
	s10 =	sld [smem:$0x3FB3];
	_ =	sdelay $0x3  }
0x34: {  	[smem:$0x3FB3] =	sst s10  }
0x35: {  	s10 =	sld [smem:$0x3FB2];
	_ =	sdelay $0x3  }
0x36: {  	p1 =	seq.s32 s10, $0x1;
	s10 =	sld [smem:$0x3FB3];
	_ =	sdelay $0x3  }
0x37: {  	[smem:$0x3FB3] =	sst s10  }
0x38: {  	s10 =	sld [smem:$0x3FB4]  }
0x39: {  	_ = 	snop;
	(pc) =	sbr.ind lr, $3  }
0x3a: {  	_ = 	snop  }
0x3b: {  	_ = 	snop  }
0x3c: {  	p2 =	seq.s32 s10, $0x1;
	s10 =	sld [smem:$0x3FB3]  }
0x3d: {  	_ =	shalt  }
0x3e: {  	_ =	shalt  }
0x3f: {  	_ =	shalt  }
0x40: {  	_ =	shalt  }
0x41: {  	_ =	shalt  }
0x42: {  	_ =	shalt  }
0x43: {  	_ =	shalt  }
0x44: {  	_ =	shalt  }
0x45: {  	_ =	shalt  }
0x46: {  	_ =	shalt  }
0x47: {  	_ =	shalt  }
0x48: {  	_ =	shalt  }
0x49: {  	_ =	shalt  }
0x4a: {  	_ =	shalt  }
0x4b: {  	_ =	shalt  }
0x4c: {  	_ =	shalt  }
0x4d: {  	_ =	shalt  }
0x4e: {  	_ =	shalt  }
0x4f: {  	_ =	shalt  }
0x50: {  	_ =	shalt  }
0x51: {  	_ =	shalt  }
0x52: {  	_ =	shalt  }
0x53: {  	_ =	shalt  }
0x54: {  	_ =	shalt  }
0x55: {  	_ =	shalt  }
0x56: {  	_ =	shalt  }
0x57: {  	_ =	shalt  }
0x58: {  	_ =	shalt  }
0x59: {  	_ =	shalt  }
0x5a: {  	_ =	shalt  }
0x5b: {  	_ =	shalt  }
0x5c: {  	_ =	shalt  }
0x5d: {  	_ =	shalt  }
0x5e: {  	_ =	shalt  }
0x5f: {  	_ =	shalt  }
0x60: {  	_ =	shalt  }
0x61: {  	_ =	shalt  }
0x62: {  	_ =	shalt  }
0x63: {  	_ =	shalt  }
0x64: {  	_ =	shalt  }
0x65: {  	_ =	shalt  }
0x66: {  	_ =	shalt  }
0x67: {  	_ =	shalt  }
0x68: {  	_ =	shalt  }
0x69: {  	_ =	shalt  }
0x6a: {  	_ =	shalt  }
0x6b: {  	_ =	shalt  }
0x6c: {  	_ =	shalt  }
0x6d: {  	_ =	shalt  }
0x6e: {  	_ =	shalt  }
0x6f: {  	_ =	shalt  }
0x70: {  	_ =	shalt  }
0x71: {  	_ =	shalt  }
0x72: {  	_ =	shalt  }
0x73: {  	_ =	shalt  }
0x74: {  	_ =	shalt  }
0x75: {  	_ =	shalt  }
0x76: {  	_ =	shalt  }
0x77: {  	_ =	shalt  }
0x78: {  	_ =	shalt  }
0x79: {  	_ =	shalt  }
0x7a: {  	_ =	shalt  }
0x7b: {  	_ =	shalt  }
0x7c: {  	_ =	shalt  }
0x7d: {  	_ =	shalt  }
0x7e: {  	_ =	shalt  }
0x7f: {  	_ =	shalt  }
0x80: {  	_ =	shalt  }
0x81: {  	_ =	shalt  }
0x82: {  	_ =	shalt  }
0x83: {  	_ =	shalt  }
0x84: {  	_ =	shalt  }
0x85: {  	_ =	shalt  }
0x86: {  	_ =	shalt  }
0x87: {  	_ =	shalt  }
.Lfunc_end0:
.L_simem_size_0:
called_computation.1_lowered:
.L_overlay_start_0:
0x88: {  	s2 =	sld [smem:$0x3FD9]  }
0x89: {  	s3 =	sld [smem:$0x3FFE];
	_ =	sdelay $0x1  }
0x8a: {  	s1 =	srdreg.scid  }
0x8b: {  	s0 =	sand.u32 $0x1, s1  }
0x8c: {  	s16 =	sshll.u32 s0, $0xA;
	s2 =	sadd.s32 s3, s2  }
0x8d: {  	s2 =	sadd.s32 s2, s16  }
0x8e: {  	[smem:$0x3FBF] =	sst s2  }
0x8f: {  	_ = 	snop  }
0x90: {  	(tm) =	ssettm $0x1  }
0x91: {  	s17 =	sld [smem:$0x3FFB];
	_ =	sdelay $0x3  }
0x92: {  	_ =	strace s17  }
0x93: {  	s2 =	sld [smem:$0x3FFC];
	_ =	sdelay $0x3  }
0x94: {  	_ =	strace s2  }
0x95: {  	s2 =	sld [smem:$0x3FFD];
	_ =	sdelay $0x3  }
0x96: {  	_ =	strace s2  }
0x97: {  	_ =	strace $0x8FFFFFFF  }
0x98: {  	s18 =	sld [smem:$0x3FDB];
	_ =	sdelay $0x1  }
0x99: {  	s19 =	simm.s32 $_scs_section_size  }
0x9a: {  	s4 =	simm.s32 $_size__tile_overlayer_lowered;
	s5 =	simm.s32 $_tile_overlayer_lowered  }
0x9b: {  	s22 =	simm.s32 $0x1BFF;
	s21 =	sshll.u32 s5, $0x1;
	s2 =	sadd.s32 s19, s18  }
0x9c: {  	s6 =	simm.s32 $0x0;
	s20 =	sshll.u32 s4, $0x1;
	s4 =	sadd.s32 s21, s2  }
0x9d: {  	[timem:s6], [sflag:s22] =	dma.local [hbm:s4], s20  }
0x9e: {  	_ =	swait.ge [sflag:s22], s20  }
0x9f: {  	s3 =	ssub.s32 $0x0, s20;
	[sflag:s22] =	ssyncset.done $0x0  }
0xa0: {  	[sflag:s22] =	ssyncadd.s32 s3;
	_ =	sdelay $0x1  }
0xa1: {  	s23 =	simm.s32 $0x1B8B  }
0xa2: {  	_ =	swait.ge [sflag:s23], $0x1  }
0xa3: {  	[sflag:s23] =	ssyncset.done $0x0  }
0xa4: {  	s25 =	simm.s32 $0x1B8E;
	s24 =	sld [smem:$0x3FFE];
	[sflag:s23] =	ssyncadd.s32 $0xFFFFFFFF  }
0xa5: {  	s26 =	simm.s32 $execute0_lowered;
	[smem:$0x3FD2] =	sst s25  }
0xa6: {  	s4 =	sshll.u32 s26, $0x1;
	_ =	strace $0x80000049;
	[dreg:$0x1] =	wrdreg $0xFFFFFFFF  }
0xa7: {  	s28 =	simm.s32 $_size_execute0_lowered;
	s2 =	sadd.s32 s2, s4;
	[dreg:$0x0] =	wrdreg $0x0  }
0xa8: {  	s4 =	sshll.u32 s28, $0x1;
	[dreg:$0x2] =	wrdreg s2  }
0xa9: {  	[dreg:$0x3] =	wrdreg s4  }
0xaa: {  	[dreg:$0x4] =	wrdreg $0xC0  }
0xab: {  	_ =	task [dreg:s6], $0x5FFFF  }
0xac: {  	[dreg:$0x1] =	wrdreg $0xFFFFFFFF  }
0xad: {  	[dreg:$0x0] =	wrdreg $0x60  }
0xae: {  	[dreg:$0x2] =	wrdreg s24  }
0xaf: {  	[dreg:$0x3] =	wrdreg $0x100400  }
0xb0: {  	[dreg:$0x4] =	wrdreg $0x9  }
0xb1: {  	_ =	task.clear_ibuf [dreg:s6], $0x5FFFF;
	_ =	strace $0x90000049  }
0xb2: {  	s29 =	simm.s32 $0x9;
	_ =	strace $0x8000004B  }
0xb3: {  	_ =	swait.ge [sflag:s29], $0x1  }
0xb4: {  	[sflag:s29] =	ssyncadd.s32 $0xFFFFFFFF  }
0xb5: {  	_ =	strace $0x9000004B  }
0xb6: {  	_ =	sfence  }
0xb7: {  	s30 =	sld [smem:$0x0];
	_ =	sdelay $0x2  }
0xb8: {  	s31 =	sshll.u32 s1, $0xD;
	s1 =	sshrl.u32 s1, $0x2  }
0xb9: {  	s3 =	sand.u32 $0x4000, s31;
	s1 =	sadd.s32 s1, s30  }
0xba: {  	s0 =	sor.u32 s3, s0;
	s1 =	sshll.u32 s1, $0x11  }
0xbb: {  	s0 =	sor.u32 s1, s0  }
0xbc: {  	s0 =	sadd.s32 $0x8F2B, s0  }
0xbd: {  	[sflag:s0] =	ssyncadd.remote.s32 $0x1  }
0xbe: {  	_ =	sfence.sel $0xFFFF  }
0xbf: {  	[dreg:$0x0] =	wrdreg $0xFFFFFFFF;
	(pc) =	sbr.abs _section_cstart, $3  }
0xc0: {  	[dreg:$0x1] =	wrdreg $0xFFFFFFFF  }
0xc1: {  	_ =	task.clear_ibuf [dreg:s6], $0x2FFFF;
	_ =	strace $0x9FFFFFFF  }
0xc2: {  	(tm) =	ssettm $0x7FFFFFFF  }
0xc3: {  	_ =	shalt  }
tec
execute0_lowered:
.L_overlay_start_1:
0x0: {  	(tag) =	ssettag $0x1  }
0x1: {  	s13 =	rddreg [dreg:$0x0]  }
0x2: {  	s1 =	rddreg [dreg:$0x1]  }
0x3: {  	s0 =	rddreg [dreg:$0x2]  }
0x4: {  	s2 =	simm.s32 $0x0;
	s4 =	srdreg.scid;
	s6 =	stileid.u32  }
0x5: {  	s19 =	simm.s32 $0x7D0;
	s20 =	simm.s32 $0xFA0;
	[smem:$0x7FF] =	sst s2  }
0x6: {  	s3 =	sadd.s32 $0xC5600, s13;
	s8 =	sand.u32 $0x1, s4;
	s4 =	sadd.s32 $0x2000, s13  }
0x7: {  	s23 =	simm.s32 $0x0;
	s5 =	sadd.s32 $0x188C00, s13;
	s7 =	sadd.s32 $0x1ECC00, s13  }
0x8: {  	s15 =	sadd.s32 $0x1EDA00, s13;
	s28 =	smul.u32 $0x32000, s6;
	s11 =	sshll.u32 s6, $0x1  }
0x9: {  	s13 =	sadd.s32 $0x1BAC00, s13;
	s9 =	ssub.s32 $0x2, s8;
	s21 =	smul.u32 $0xC800, s8  }
0xa: {  	s29 =	sshll.u32 s8, $0x5;
	s12 =	sshll.u32 s8, $0x4;
	s10 =	sshrl.u32 s9, $0x1  }
0xb: {  	s8 =	smul.u32 $0x61A80, s6;
	s16 =	ssub.s32 s9, s10;
	s10 =	sor.u32 s11, s29  }
0xc: {  	_ =	strace $0x8000004A;
	s30 =	sor.u32 s12, s6;
	s31 =	smul.u32 $0x6400, s10  }
0xd: {  	s22 =	sadd.s32 $0xC800, s21;
	s11 =	sor.u32 $0x20, s30;
	s14 =	smul.u32 $0xC80, s10  }
0xe: {  	s9 =	sshrl.u32 s28, $0x2;
	v0 =	vmov s21;
	s21 =	simm.s32 $0x1F40;
	s17 =	smul.u32 $0xC800, s11  }
0xf: {  	s9 =	sadd.s32 s9, s1;
	s18 =	smul.u32 $0x1900, s11;
	s16 =	smax.u32 s16, $0x1  }
0x10: {  	v1 =	vmov s22;
	s22 =	simm.s32 $0x1770;
	s10 =	sadd.s32 $0x6400, s9;
	s12 =	sshrl.u32 s31, $0x3  }
0x11: {  	s11 =	sadd.s32 s15, s14;
	s17 =	sshrl.u32 s17, $0x3;
	s14 =	sadd.s32 s15, s18  }
0x12: {  	s18 =	simm.s32 $0x1;
	s12 =	sadd.s32 s15, s12;
	s15 =	sadd.s32 s15, s17  }
0x13: {  	s17 =	simm.s32 $0x9C40;
	s12 =	sadd.s32 $0xC80, s12;
	s15 =	sadd.s32 $0xC80, s15  }
.LBB2_1:
0x14: {  	[tilespmem:s17], [sflag:$0x1] =	stream.linear.gather [hbm4b:s7+s2], $0x6400, $0x38;
	[tilespmem:$0x1C840] =	vst v63  }
0x15: {  	_ =	swait.ge [sflag:s18], $0x6400  }
0x16: {  	[sflag:s18] =	ssyncset.done $0x0  }
0x17: {  	[sflag:s18] =	ssyncadd.s32 $0xFFFF9C00  }
0x18: {  	[spmem:s9] =	stream.linear.scatter [tilespmem:s17], [sflag:$0x1], $0x6400, $0x38;
	[tilespmem:$0x1C840] =	vst v63  }
0x19: {  	_ =	swait.ge [sflag:s18], $0x6400  }
0x1a: {  	[sflag:s18] =	ssyncset.done $0x0  }
0x1b: {  	[sflag:s18] =	ssyncadd.s32 $0xFFFF9C00  }
0x1c: {  	[spmem:s10] =	stream.linear.scatter [tilespmem:s17], [sflag:$0x1], $0x6400, $0x38;
	[tilespmem:$0x1C840] =	vst v63  }
0x1d: {  	_ =	swait.ge [sflag:s18], $0x6400  }
0x1e: {  	[sflag:s18] =	ssyncset.done $0x0  }
0x1f: {  	[sflag:s18] =	ssyncadd.s32 $0xFFFF9C00  }
0x20: {  	s24 =	simm.s32 $0x0;
	[bflag:$0x0] =	sbarrier.arrive $0xFFFF  }
.LBB2_2:
0x21: {  	s25 =	smul.u32 $0x7D0, s24;
	_ =	sdelay $0x1  }
0x22: {  	s25 =	sadd.s32 s8, s25  }
0x23: {  	s25 =	sshrl.u32 s25, $0x3  }
0x24: {  	s28 =	simm.s32 $0x0;
	s26 =	sadd.s32 s3, s25  }
0x25: {  	[tilespmem:s28], [sflag:$0x1] =	stream.linear.gather [hbm4b:s26+s28], $0x7D0, $0x38;
	[tilespmem:$0x1C840] =	vst v63  }
0x26: {  	_ =	swait.ge [sflag:s18], $0x7D0  }
0x27: {  	[sflag:s18] =	ssyncset.done $0x0  }
0x28: {  	s25 =	sadd.s32 s4, s25;
	[sflag:s18] =	ssyncadd.s32 $0xFFFFF830  }
0x29: {  	[tilespmem:s19], [sflag:$0x1] =	stream.linear.gather [hbm4b:s25+s28], $0x7D0, $0x38;
	[tilespmem:$0x1C840] =	vst v63  }
0x2a: {  	_ =	swait.ge [sflag:s18], $0x7D0  }
0x2b: {  	[sflag:s18] =	ssyncset.done $0x0  }
0x2c: {  	s25 =	simm.s32 $0x0;
	[sflag:s18] =	ssyncadd.s32 $0xFFFFF830  }
0x2d: {  	v2 =	vld [tilespmem:s25+$0x7D0];
	_ =	sdelay $0x1  }
0x2e: {  	v3 =	vld [tilespmem:s25+$0x0]  }
0x2f: {  	s26 =	simm.s32 $0x40  }
.LBB2_3:
0x30: {  	p0 =	sne.s32 s26, $0x1F00  }
.Ltmp0:
0x31: {  	s28 =	sshra.s32 s26, $0x2;
	s26 =	sadd.s32 $0x40, s26;
	vm0 =	vge.s32 v2, v0;
	vm1 =	vlt.s32 v2, v1;
	(pc) =	sbr.rel @p0 .LBB2_3-.Ltmp0, $4  }
0x32: {  	v4 =	vsub.s32 v2, v0;
	vm0 =	vmand vm0, vm1;
	v2 =	vld [tilespmem:s28+$0x7D0]  }
0x33: {  	v5 =	vnsel vm0, $0xFFFFFFFF, v3;
	v3 =	vld [tilespmem:s28+$0x0];
	v4 =	vnsel vm0, $0xFFFFFFFF, v4  }
0x34: {  	[tilespmem:s25+$0x1770] =	vst v4  }
0x35: {  	[tilespmem:s25+$0xFA0] =	vst v5;
	s25 =	smov.u32 s28  }
0x36: {  	_ = 	snop  }
0x37: {  	vm0 =	vge.s32 v2, v0;
	vm1 =	vlt.s32 v2, v1  }
0x38: {  	v2 =	vsub.s32 v2, v0;
	vm0 =	vmand vm0, vm1  }
0x39: {  	v2 =	vnsel vm0, $0xFFFFFFFF, v2  }
0x3a: {  	v3 =	vnsel vm0, $0xFFFFFFFF, v3;
	[tilespmem:s25+$0x1770] =	vst v2  }
0x3b: {  	[tilespmem:s25+$0xFA0] =	vst v3;
	(ifvalue) =	ssetifvalue $0xFFFFFFFF  }
0x3c: {  	(ifvalue) =	ssetifvalue $0xFFFFFFFF  }
0x3d: {  	[tilespmem:s21], [sflag:$0x1] =	stream.indirect.gather [hbm4b:s5+s19], $0x10, s20, s19, $0x40b8;
	[tilespmem:$0x1C840] =	vst v63  }
0x3e: {  	s24 =	sadd.s32 $0x1, s24;
	_ =	swait.ge [sflag:s18], $0x7D00  }
0x3f: {  	p0 =	sne.s32 s24, $0xC8;
	[sflag:s18] =	ssyncset.done $0x0  }
.Ltmp1:
0x40: {  	[sflag:s18] =	ssyncadd.s32 $0xFFFF8300;
	(ifvalue) =	ssetifvalue $0xFFFFFFFF;
	(pc) =	sbr.rel @p0 .LBB2_2-.Ltmp1, $4  }
0x41: {  	[spmem:s1] =	stream.indirect.scatter.add.f32 [tilespmem:s21], [sflag:$0x1], $0x10, s22, s19, $0x40b8;
	[tilespmem:$0x1C840] =	vst v63  }
0x42: {  	_ =	swait.ge [sflag:s18], $0x7D00  }
0x43: {  	[sflag:s18] =	ssyncset.done $0x0  }
0x44: {  	[sflag:s18] =	ssyncadd.s32 $0xFFFF8300  }
0x45: {  	[bflag:$0x0] =	sbarrier.arrive $0xFFFF  }
0x46: {  	[tilespmem:s17], [sflag:$0x1] =	stream.linear.gather [spmem:s9], $0x6400, $0x38;
	[tilespmem:$0x1C840] =	vst v63  }
0x47: {  	_ =	swait.ge [sflag:s18], $0x6400  }
0x48: {  	[sflag:s18] =	ssyncset.done $0x0  }
0x49: {  	s24 =	simm.s32 $0x0;
	[sflag:s18] =	ssyncadd.s32 $0xFFFF9C00  }
0x4a: {  	[hbm4b:s11+s24] =	stream.linear.scatter [tilespmem:s17], [sflag:$0x1], $0x6400, $0x38;
	[tilespmem:$0x1C840] =	vst v63  }
0x4b: {  	_ =	swait.ge [sflag:s18], $0x6400  }
0x4c: {  	[sflag:s18] =	ssyncset.done $0x0  }
0x4d: {  	[sflag:s18] =	ssyncadd.s32 $0xFFFF9C00  }
0x4e: {  	[tilespmem:s17], [sflag:$0x1] =	stream.linear.gather [spmem:s10], $0x6400, $0x38;
	[tilespmem:$0x1C840] =	vst v63  }
0x4f: {  	_ =	swait.ge [sflag:s18], $0x6400  }
0x50: {  	[sflag:s18] =	ssyncset.done $0x0  }
0x51: {  	[sflag:s18] =	ssyncadd.s32 $0xFFFF9C00  }
0x52: {  	[hbm4b:s12+s24] =	stream.linear.scatter [tilespmem:s17], [sflag:$0x1], $0x6400, $0x38;
	[tilespmem:$0x1C840] =	vst v63  }
0x53: {  	_ =	swait.ge [sflag:s18], $0x6400  }
0x54: {  	[sflag:s18] =	ssyncset.done $0x0  }
0x55: {  	[sflag:s18] =	ssyncadd.s32 $0xFFFF9C00  }
0x56: {  	[tilespmem:s17], [sflag:$0x1] =	stream.linear.gather [hbm4b:s7+s24], $0x6400, $0x38;
	[tilespmem:$0x1C840] =	vst v63  }
0x57: {  	_ =	swait.ge [sflag:s18], $0x6400  }
0x58: {  	[sflag:s18] =	ssyncset.done $0x0  }
0x59: {  	[sflag:s18] =	ssyncadd.s32 $0xFFFF9C00  }
0x5a: {  	[spmem:s9] =	stream.linear.scatter [tilespmem:s17], [sflag:$0x1], $0x6400, $0x38;
	[tilespmem:$0x1C840] =	vst v63  }
0x5b: {  	_ =	swait.ge [sflag:s18], $0x6400  }
0x5c: {  	[sflag:s18] =	ssyncset.done $0x0  }
0x5d: {  	[sflag:s18] =	ssyncadd.s32 $0xFFFF9C00  }
0x5e: {  	[spmem:s10] =	stream.linear.scatter [tilespmem:s17], [sflag:$0x1], $0x6400, $0x38;
	[tilespmem:$0x1C840] =	vst v63  }
0x5f: {  	_ =	swait.ge [sflag:s18], $0x6400  }
0x60: {  	[sflag:s18] =	ssyncset.done $0x0  }
0x61: {  	[sflag:s18] =	ssyncadd.s32 $0xFFFF9C00  }
0x62: {  	s25 =	simm.s32 $0x0;
	[bflag:$0x0] =	sbarrier.arrive $0xFFFF  }
.LBB2_6:
0x63: {  	s26 =	smul.u32 $0x7D0, s25;
	_ =	sdelay $0x1  }
0x64: {  	s26 =	sadd.s32 s8, s26  }
0x65: {  	s26 =	sshrl.u32 s26, $0x3  }
0x66: {  	s28 =	sadd.s32 s3, s26  }
0x67: {  	[tilespmem:s24], [sflag:$0x1] =	stream.linear.gather [hbm4b:s28+s24], $0x7D0, $0x38;
	[tilespmem:$0x1C840] =	vst v63  }
0x68: {  	_ =	swait.ge [sflag:s18], $0x7D0  }
0x69: {  	[sflag:s18] =	ssyncset.done $0x0  }
0x6a: {  	s26 =	sadd.s32 s4, s26;
	[sflag:s18] =	ssyncadd.s32 $0xFFFFF830  }
0x6b: {  	[tilespmem:s19], [sflag:$0x1] =	stream.linear.gather [hbm4b:s26+s24], $0x7D0, $0x38;
	[tilespmem:$0x1C840] =	vst v63  }
0x6c: {  	_ =	swait.ge [sflag:s18], $0x7D0  }
0x6d: {  	[sflag:s18] =	ssyncset.done $0x0  }
0x6e: {  	s26 =	simm.s32 $0x0;
	[sflag:s18] =	ssyncadd.s32 $0xFFFFF830  }
0x6f: {  	v2 =	vld [tilespmem:s26+$0x7D0];
	_ =	sdelay $0x1  }
0x70: {  	v3 =	vld [tilespmem:s26+$0x0]  }
0x71: {  	s28 =	simm.s32 $0x40  }
.LBB2_7:
0x72: {  	p0 =	sne.s32 s28, $0x1F00  }
.Ltmp2:
0x73: {  	s29 =	sshra.s32 s28, $0x2;
	s28 =	sadd.s32 $0x40, s28;
	vm0 =	vge.s32 v2, v0;
	vm1 =	vlt.s32 v2, v1;
	(pc) =	sbr.rel @p0 .LBB2_7-.Ltmp2, $4  }
0x74: {  	v4 =	vsub.s32 v2, v0;
	vm0 =	vmand vm0, vm1;
	v2 =	vld [tilespmem:s29+$0x7D0]  }
0x75: {  	v5 =	vnsel vm0, $0xFFFFFFFF, v3;
	v3 =	vld [tilespmem:s29+$0x0];
	v4 =	vnsel vm0, $0xFFFFFFFF, v4  }
0x76: {  	[tilespmem:s26+$0x1770] =	vst v4  }
0x77: {  	[tilespmem:s26+$0xFA0] =	vst v5;
	s26 =	smov.u32 s29  }
0x78: {  	_ = 	snop  }
0x79: {  	vm0 =	vge.s32 v2, v0;
	vm1 =	vlt.s32 v2, v1  }
0x7a: {  	v2 =	vsub.s32 v2, v0;
	vm0 =	vmand vm0, vm1  }
0x7b: {  	v2 =	vnsel vm0, $0xFFFFFFFF, v2  }
0x7c: {  	v3 =	vnsel vm0, $0xFFFFFFFF, v3;
	[tilespmem:s26+$0x1770] =	vst v2  }
0x7d: {  	[tilespmem:s26+$0xFA0] =	vst v3;
	(ifvalue) =	ssetifvalue $0xFFFFFFFF  }
0x7e: {  	(ifvalue) =	ssetifvalue $0xFFFFFFFF  }
0x7f: {  	[tilespmem:s21], [sflag:$0x1] =	stream.indirect.gather [hbm4b:s13+s19], $0x10, s20, s19, $0x40b8;
	[tilespmem:$0x1C840] =	vst v63  }
0x80: {  	s25 =	sadd.s32 $0x1, s25;
	_ =	swait.ge [sflag:s18], $0x7D00  }
0x81: {  	p0 =	sne.s32 s25, $0xC8;
	[sflag:s18] =	ssyncset.done $0x0  }
.Ltmp3:
0x82: {  	[sflag:s18] =	ssyncadd.s32 $0xFFFF8300;
	(ifvalue) =	ssetifvalue $0xFFFFFFFF;
	(pc) =	sbr.rel @p0 .LBB2_6-.Ltmp3, $4  }
0x83: {  	[spmem:s1] =	stream.indirect.scatter.add.f32 [tilespmem:s21], [sflag:$0x1], $0x10, s22, s19, $0x40b8;
	[tilespmem:$0x1C840] =	vst v63  }
0x84: {  	_ =	swait.ge [sflag:s18], $0x7D00  }
0x85: {  	[sflag:s18] =	ssyncset.done $0x0  }
0x86: {  	[sflag:s18] =	ssyncadd.s32 $0xFFFF8300  }
0x87: {  	[bflag:$0x0] =	sbarrier.arrive $0xFFFF  }
0x88: {  	[tilespmem:s17], [sflag:$0x1] =	stream.linear.gather [spmem:s9], $0x6400, $0x38;
	[tilespmem:$0x1C840] =	vst v63  }
0x89: {  	_ =	swait.ge [sflag:s18], $0x6400  }
0x8a: {  	[sflag:s18] =	ssyncset.done $0x0  }
0x8b: {  	[sflag:s18] =	ssyncadd.s32 $0xFFFF9C00  }
0x8c: {  	[hbm4b:s14+s2] =	stream.linear.scatter [tilespmem:s17], [sflag:$0x1], $0x6400, $0x38;
	[tilespmem:$0x1C840] =	vst v63  }
0x8d: {  	_ =	swait.ge [sflag:s18], $0x6400  }
0x8e: {  	[sflag:s18] =	ssyncset.done $0x0  }
0x8f: {  	[sflag:s18] =	ssyncadd.s32 $0xFFFF9C00  }
0x90: {  	[tilespmem:s17], [sflag:$0x1] =	stream.linear.gather [spmem:s10], $0x6400, $0x38;
	[tilespmem:$0x1C840] =	vst v63  }
0x91: {  	s23 =	sadd.s32 $0x1, s23;
	_ =	swait.ge [sflag:s18], $0x6400  }
0x92: {  	p0 =	sne.s32 s23, s16;
	[sflag:s18] =	ssyncset.done $0x0  }
.Ltmp4:
0x93: {  	[sflag:s18] =	ssyncadd.s32 $0xFFFF9C00;
	(pc) =	sbr.rel @p0 .LBB2_1-.Ltmp4, $4  }
0x94: {  	[hbm4b:s15+s2] =	stream.linear.scatter [tilespmem:s17], [sflag:$0x1], $0x6400, $0x38;
	[tilespmem:$0x1C840] =	vst v63  }
0x95: {  	_ =	swait.ge [sflag:s18], $0x6400  }
0x96: {  	[sflag:s18] =	ssyncset.done $0x0  }
0x97: {  	[sflag:s18] =	ssyncadd.s32 $0xFFFF9C00  }
0x98: {  	_ =	sfence.sel $0x180000  }
0x99: {  	[bflag:$0x0] =	sbarrier.arrive $0xFFFF  }
0x9a: {  	p0 =	sne.s32 s6, $0x0;
	_ =	strace $0x9000004A  }
0x9b: {  	s0 =	sadd.s32 @!p0 $0x100000, s0;
	[bflag:$0x2] =	sbarrier.arrive $0xFFFF  }
0x9c: {  	[sflag:s0] =	ssyncadd.tile.s32 @!p0 $0x1;
	_ =	shalt  }
.Lfunc_end2:
_tile_overlayer_lowered:
.L_overlay_start_2:
0x9d: {  	(tag) =	ssettag $0x2  }
0x9e: {  	s0 =	rddreg [dreg:$0x0];
	s2 =	stileid.u32  }
0x9f: {  	s1 =	rddreg [dreg:$0x1];
	p0 =	sne.s32 s2, $0x0  }
0xa0: {  	s3 =	rddreg [dreg:$0x2];
	[bflag:$0x3] =	sbarrier.arrive $0xFFFF;
	s2 =	simm.s32 @!p0 $0x1C01  }
0xa1: {  	[timem:s3], [sflag:s2] =	dma.local @!p0 [hbm:s0], s1  }
0xa2: {  	s0 =	simm.s32 @!p0 $0x1  }
0xa3: {  	_ =	swait.ge @!p0 [sflag:s0], s1  }
0xa4: {  	s1 =	ssub.s32 @!p0 $0x0, s1;
	[sflag:s0] =	ssyncset.done @!p0 $0x0  }
0xa5: {  	[sflag:s0] =	ssyncadd.s32 @!p0 s1  }
0xa6: {  	[bflag:$0x3] =	sbarrier.arrive $0xFFFF  }
0xa7: {  	_ =	shalt  }

// kernel: kernel.14.cloned.1.call-start
scs
__scs_entry_jumppad:
0x0: {  	(pc) =	sbr.rel $0x88, $3  }
0x1: {  	(tag) =	ssettag $0x0;
	lr =	simm.s32 $0x1  }
0x2: {  	[smem:$0x3F98] =	sst lr;
	_ =	strace $0xD0000000  }
0x3: {  	_ = 	snop  }
0x4: {  	_ = 	snop  }
0x5: {  	_ = 	snop  }
0x6: {  	_ = 	snop  }
0x7: {  	_ = 	snop  }
__scs_overlays_trampoline_lowered:
0x8: {  	[smem:$0x3FA7] =	sst s0  }
0x9: {  	[smem:$0x3FA8] =	sst s1  }
0xa: {  	[smem:$0x3FA9] =	sst s2  }
0xb: {  	[smem:$0x3FAA] =	sst s3  }
0xc: {  	[smem:$0x3FAB] =	sst s4  }
0xd: {  	[smem:$0x3FAC] =	sst s5  }
0xe: {  	[smem:$0x3FAD] =	sst s6  }
0xf: {  	[smem:$0x3FAE] =	sst s7  }
0x10: {  	[smem:$0x3FAF] =	sst s8  }
0x11: {  	[smem:$0x3FB0] =	sst s9;
	s0 =	simm.s32 @!p0 $0x0  }
0x12: {  	s1 =	sld [smem:$0x3F96];
	s0 =	simm.s32 @p0 $0x1  }
0x13: {  	[smem:$0x3FB1] =	sst s0;
	s0 =	simm.s32 @!p1 $0x0  }
0x14: {  	s2 =	sld [smem:$0x3F95];
	s0 =	simm.s32 @p1 $0x1  }
0x15: {  	[smem:$0x3FB2] =	sst s0;
	s0 =	simm.s32 @!p2 $0x0  }
0x16: {  	s3 =	sld [smem:$0x3FDB];
	s0 =	simm.s32 @p2 $0x1  }
0x17: {  	s4 =	simm.s32 $0x1BF5;
	[smem:$0x3FB4] =	sst s0  }
0x18: {  	s0 =	sld [smem:$0x3F97];
	_ =	swait.ge [sflag:s4], $0x0  }
0x19: {  	s7 =	sld [smem:$0x3F98]  }
0x1a: {  	s8 =	sadd.s32 $0xFFFFE003, lr  }
0x1b: {  	s9 =	sadd.s32 $0xFFFFFEF7, lr;
	s5 =	simm.s32 $0xFFFFFFFF;
	p2 =	slt.u32 s8, $0xFFFFF086  }
0x1c: {  	p1 =	slt.u32 s9, $0xF7A;
	s5 =	simm.s32 @!p2 $0x0  }
0x1d: {  	s5 =	simm.s32 @p1 $0x1;
	p0 =	seq.s32 s7, s2  }
0x1e: {  	s7 =	smul.u32 @!p0 $0xF7A, s2;
	p2 =	seq.s32 @!p0 s5, $0x0  }
0x1f: {  	s9 =	smul.u32 $0xF7A, s1;
	s8 =	simm.s32 @!p0 $0x1BF5;
	p2 =	por !p2, p0  }
0x20: {  	[sflag:s8] =	ssyncset.s32 @!p0 $0xFFFFF086;
	s6 =	sadd.s32 @!p0 s3, s7;
	s7 =	simm.s32 @!p0 $0x108  }
0x21: {  	s3 =	sadd.s32 s3, s9;
	s6 =	sadd.s32 @!p0 $0x88, s6;
	s7 =	simm.s32 @p2 $0x1082  }
0x22: {  	[simem:s7], [sflag:s8] =	dma.local @!p0 [hbm:s6], $0xF7A  }
0x23: {  	s9 =	sor.u32 $0xD0000000, s2;
	s6 =	simm.s32 $0x108;
	_ =	swait.ge @!p0 [sflag:s8], $0x0  }
0x24: {  	s3 =	sadd.s32 $0x88, s3;
	s6 =	simm.s32 @!p1 $0x1082;
	[sflag:s4] =	ssyncset.s32 $0xFFFFF086  }
0x25: {  	[simem:s6], [sflag:s4] =	dma.local [hbm:s3], $0xF7A  }
0x26: {  	[smem:$0x3F98] =	sst s1;
	(tag) =	ssettag s2;
	_ =	strace s9  }
0x27: {  	s1 =	sld [smem:$0x3FA8]  }
0x28: {  	s2 =	sld [smem:$0x3FA9]  }
0x29: {  	s4 =	sld [smem:$0x3FAB]  }
0x2a: {  	p0 =	seq.s32 s5, $0x0;
	s5 =	sld [smem:$0x3FAC]  }
0x2b: {  	s6 =	sld [smem:$0x3FAD]  }
0x2c: {  	s7 =	sld [smem:$0x3FAE]  }
0x2d: {  	s3 =	simm.s32 $0x108;
	s8 =	sld [smem:$0x3FAF]  }
0x2e: {  	s3 =	simm.s32 @!p0 $0x1082;
	s9 =	sld [smem:$0x3FB0]  }
0x2f: {  	lr =	sadd.s32 s0, s3;
	s0 =	sld [smem:$0x3FA7]  }
0x30: {  	s3 =	sld [smem:$0x3FAA]  }
0x31: {  	[smem:$0x3FB3] =	sst s10  }
0x32: {  	s10 =	sld [smem:$0x3FB1];
	_ =	sdelay $0x3  }
0x33: {  	p0 =	seq.s32 s10, $0x1;
	s10 =	sld [smem:$0x3FB3];
	_ =	sdelay $0x3  }
0x34: {  	[smem:$0x3FB3] =	sst s10  }
0x35: {  	s10 =	sld [smem:$0x3FB2];
	_ =	sdelay $0x3  }
0x36: {  	p1 =	seq.s32 s10, $0x1;
	s10 =	sld [smem:$0x3FB3];
	_ =	sdelay $0x3  }
0x37: {  	[smem:$0x3FB3] =	sst s10  }
0x38: {  	s10 =	sld [smem:$0x3FB4]  }
0x39: {  	_ = 	snop;
	(pc) =	sbr.ind lr, $3  }
0x3a: {  	_ = 	snop  }
0x3b: {  	_ = 	snop  }
0x3c: {  	p2 =	seq.s32 s10, $0x1;
	s10 =	sld [smem:$0x3FB3]  }
0x3d: {  	_ =	shalt  }
0x3e: {  	_ =	shalt  }
0x3f: {  	_ =	shalt  }
0x40: {  	_ =	shalt  }
0x41: {  	_ =	shalt  }
0x42: {  	_ =	shalt  }
0x43: {  	_ =	shalt  }
0x44: {  	_ =	shalt  }
0x45: {  	_ =	shalt  }
0x46: {  	_ =	shalt  }
0x47: {  	_ =	shalt  }
0x48: {  	_ =	shalt  }
0x49: {  	_ =	shalt  }
0x4a: {  	_ =	shalt  }
0x4b: {  	_ =	shalt  }
0x4c: {  	_ =	shalt  }
0x4d: {  	_ =	shalt  }
0x4e: {  	_ =	shalt  }
0x4f: {  	_ =	shalt  }
0x50: {  	_ =	shalt  }
0x51: {  	_ =	shalt  }
0x52: {  	_ =	shalt  }
0x53: {  	_ =	shalt  }
0x54: {  	_ =	shalt  }
0x55: {  	_ =	shalt  }
0x56: {  	_ =	shalt  }
0x57: {  	_ =	shalt  }
0x58: {  	_ =	shalt  }
0x59: {  	_ =	shalt  }
0x5a: {  	_ =	shalt  }
0x5b: {  	_ =	shalt  }
0x5c: {  	_ =	shalt  }
0x5d: {  	_ =	shalt  }
0x5e: {  	_ =	shalt  }
0x5f: {  	_ =	shalt  }
0x60: {  	_ =	shalt  }
0x61: {  	_ =	shalt  }
0x62: {  	_ =	shalt  }
0x63: {  	_ =	shalt  }
0x64: {  	_ =	shalt  }
0x65: {  	_ =	shalt  }
0x66: {  	_ =	shalt  }
0x67: {  	_ =	shalt  }
0x68: {  	_ =	shalt  }
0x69: {  	_ =	shalt  }
0x6a: {  	_ =	shalt  }
0x6b: {  	_ =	shalt  }
0x6c: {  	_ =	shalt  }
0x6d: {  	_ =	shalt  }
0x6e: {  	_ =	shalt  }
0x6f: {  	_ =	shalt  }
0x70: {  	_ =	shalt  }
0x71: {  	_ =	shalt  }
0x72: {  	_ =	shalt  }
0x73: {  	_ =	shalt  }
0x74: {  	_ =	shalt  }
0x75: {  	_ =	shalt  }
0x76: {  	_ =	shalt  }
0x77: {  	_ =	shalt  }
0x78: {  	_ =	shalt  }
0x79: {  	_ =	shalt  }
0x7a: {  	_ =	shalt  }
0x7b: {  	_ =	shalt  }
0x7c: {  	_ =	shalt  }
0x7d: {  	_ =	shalt  }
0x7e: {  	_ =	shalt  }
0x7f: {  	_ =	shalt  }
0x80: {  	_ =	shalt  }
0x81: {  	_ =	shalt  }
0x82: {  	_ =	shalt  }
0x83: {  	_ =	shalt  }
0x84: {  	_ =	shalt  }
0x85: {  	_ =	shalt  }
0x86: {  	_ =	shalt  }
0x87: {  	_ =	shalt  }
.Lfunc_end0:
.L_simem_size_0:
called_computation.2_lowered:
.L_overlay_start_0:
0x88: {  	s2 =	sld [smem:$0x3FD9]  }
0x89: {  	s3 =	sld [smem:$0x3FFE];
	_ =	sdelay $0x1  }
0x8a: {  	s1 =	srdreg.scid  }
0x8b: {  	s0 =	sand.u32 $0x1, s1  }
0x8c: {  	s16 =	sshll.u32 s0, $0xA;
	s2 =	sadd.s32 s3, s2  }
0x8d: {  	s2 =	sadd.s32 s2, s16  }
0x8e: {  	[smem:$0x3FBF] =	sst s2  }
0x8f: {  	_ = 	snop  }
0x90: {  	(tm) =	ssettm $0x1  }
0x91: {  	s17 =	sld [smem:$0x3FFB];
	_ =	sdelay $0x3  }
0x92: {  	_ =	strace s17  }
0x93: {  	s2 =	sld [smem:$0x3FFC];
	_ =	sdelay $0x3  }
0x94: {  	_ =	strace s2  }
0x95: {  	s2 =	sld [smem:$0x3FFD];
	_ =	sdelay $0x3  }
0x96: {  	_ =	strace s2  }
0x97: {  	_ =	strace $0x8FFFFFFF  }
0x98: {  	s18 =	sld [smem:$0x3FDB];
	_ =	sdelay $0x1  }
0x99: {  	s19 =	simm.s32 $_scs_section_size  }
0x9a: {  	s4 =	simm.s32 $_size__tile_overlayer_lowered;
	s5 =	simm.s32 $_tile_overlayer_lowered  }
0x9b: {  	s22 =	simm.s32 $0x1BFF;
	s21 =	sshll.u32 s5, $0x1;
	s2 =	sadd.s32 s19, s18  }
0x9c: {  	s6 =	simm.s32 $0x0;
	s20 =	sshll.u32 s4, $0x1;
	s4 =	sadd.s32 s21, s2  }
0x9d: {  	[timem:s6], [sflag:s22] =	dma.local [hbm:s4], s20  }
0x9e: {  	_ =	swait.ge [sflag:s22], s20  }
0x9f: {  	s3 =	ssub.s32 $0x0, s20;
	[sflag:s22] =	ssyncset.done $0x0  }
0xa0: {  	[sflag:s22] =	ssyncadd.s32 s3;
	_ =	sdelay $0x1  }
0xa1: {  	s23 =	simm.s32 $0x1B8B  }
0xa2: {  	_ =	swait.ge [sflag:s23], $0x1  }
0xa3: {  	[sflag:s23] =	ssyncset.done $0x0  }
0xa4: {  	s25 =	simm.s32 $0x1B8E;
	s24 =	sld [smem:$0x3FFE];
	[sflag:s23] =	ssyncadd.s32 $0xFFFFFFFF  }
0xa5: {  	s26 =	simm.s32 $execute0_lowered;
	[smem:$0x3FD2] =	sst s25  }
0xa6: {  	s4 =	sshll.u32 s26, $0x1;
	_ =	strace $0x8000004C;
	[dreg:$0x1] =	wrdreg $0xFFFFFFFF  }
0xa7: {  	s28 =	simm.s32 $_size_execute0_lowered;
	s2 =	sadd.s32 s2, s4;
	[dreg:$0x0] =	wrdreg $0x0  }
0xa8: {  	s4 =	sshll.u32 s28, $0x1;
	[dreg:$0x2] =	wrdreg s2  }
0xa9: {  	[dreg:$0x3] =	wrdreg s4  }
0xaa: {  	[dreg:$0x4] =	wrdreg $0xC0  }
0xab: {  	_ =	task [dreg:s6], $0x5FFFF  }
0xac: {  	[dreg:$0x1] =	wrdreg $0xFFFFFFFF  }
0xad: {  	[dreg:$0x0] =	wrdreg $0x60  }
0xae: {  	[dreg:$0x2] =	wrdreg s24  }
0xaf: {  	[dreg:$0x3] =	wrdreg $0x100400  }
0xb0: {  	[dreg:$0x4] =	wrdreg $0x9  }
0xb1: {  	_ =	task.clear_ibuf [dreg:s6], $0x5FFFF;
	_ =	strace $0x9000004C  }
0xb2: {  	s29 =	simm.s32 $0x9;
	_ =	strace $0x8000004E  }
0xb3: {  	_ =	swait.ge [sflag:s29], $0x1  }
0xb4: {  	[sflag:s29] =	ssyncadd.s32 $0xFFFFFFFF  }
0xb5: {  	_ =	strace $0x9000004E  }
0xb6: {  	_ =	sfence  }
0xb7: {  	s30 =	sld [smem:$0x0];
	_ =	sdelay $0x2  }
0xb8: {  	s31 =	sshll.u32 s1, $0xD;
	s1 =	sshrl.u32 s1, $0x2  }
0xb9: {  	s3 =	sand.u32 $0x4000, s31;
	s1 =	sadd.s32 s1, s30  }
0xba: {  	s0 =	sor.u32 s3, s0;
	s1 =	sshll.u32 s1, $0x11  }
0xbb: {  	s0 =	sor.u32 s1, s0  }
0xbc: {  	s0 =	sadd.s32 $0x8F2B, s0  }
0xbd: {  	[sflag:s0] =	ssyncadd.remote.s32 $0x1  }
0xbe: {  	_ =	sfence.sel $0xFFFF  }
0xbf: {  	[dreg:$0x0] =	wrdreg $0xFFFFFFFF;
	(pc) =	sbr.abs _section_cstart, $3  }
0xc0: {  	[dreg:$0x1] =	wrdreg $0xFFFFFFFF  }
0xc1: {  	_ =	task.clear_ibuf [dreg:s6], $0x2FFFF;
	_ =	strace $0x9FFFFFFF  }
0xc2: {  	(tm) =	ssettm $0x7FFFFFFF  }
0xc3: {  	_ =	shalt  }
tec
execute0_lowered:
.L_overlay_start_1:
0x0: {  	(tag) =	ssettag $0x1  }
0x1: {  	s13 =	rddreg [dreg:$0x0]  }
0x2: {  	s1 =	rddreg [dreg:$0x1]  }
0x3: {  	s0 =	rddreg [dreg:$0x2]  }
0x4: {  	s2 =	simm.s32 $0x0;
	s4 =	srdreg.scid;
	s6 =	stileid.u32  }
0x5: {  	s19 =	simm.s32 $0x7D0;
	s20 =	simm.s32 $0xFA0;
	[smem:$0x7FF] =	sst s2  }
0x6: {  	s3 =	sadd.s32 $0xC5600, s13;
	s8 =	sand.u32 $0x1, s4;
	s4 =	sadd.s32 $0x2000, s13  }
0x7: {  	s23 =	simm.s32 $0x0;
	s5 =	sadd.s32 $0x188C00, s13;
	s7 =	sadd.s32 $0x1ECC00, s13  }
0x8: {  	s15 =	sadd.s32 $0x956000, s13;
	s28 =	smul.u32 $0x32000, s6;
	s11 =	sshll.u32 s6, $0x1  }
0x9: {  	s13 =	sadd.s32 $0x1BAC00, s13;
	s9 =	ssub.s32 $0x2, s8;
	s21 =	smul.u32 $0xC800, s8  }
0xa: {  	s29 =	sshll.u32 s8, $0x5;
	s12 =	sshll.u32 s8, $0x4;
	s10 =	sshrl.u32 s9, $0x1  }
0xb: {  	s8 =	smul.u32 $0x61A80, s6;
	s16 =	ssub.s32 s9, s10;
	s10 =	sor.u32 s11, s29  }
0xc: {  	_ =	strace $0x8000004D;
	s30 =	sor.u32 s12, s6;
	s31 =	smul.u32 $0x6400, s10  }
0xd: {  	s22 =	sadd.s32 $0xC800, s21;
	s11 =	sor.u32 $0x20, s30;
	s14 =	smul.u32 $0xC80, s10  }
0xe: {  	s9 =	sshrl.u32 s28, $0x2;
	v0 =	vmov s21;
	s21 =	simm.s32 $0x1F40;
	s17 =	smul.u32 $0xC800, s11  }
0xf: {  	s9 =	sadd.s32 s9, s1;
	s18 =	smul.u32 $0x1900, s11;
	s16 =	smax.u32 s16, $0x1  }
0x10: {  	v1 =	vmov s22;
	s22 =	simm.s32 $0x1770;
	s10 =	sadd.s32 $0x6400, s9;
	s12 =	sshrl.u32 s31, $0x3  }
0x11: {  	s11 =	sadd.s32 s15, s14;
	s17 =	sshrl.u32 s17, $0x3;
	s14 =	sadd.s32 s15, s18  }
0x12: {  	s18 =	simm.s32 $0x1;
	s12 =	sadd.s32 s15, s12;
	s15 =	sadd.s32 s15, s17  }
0x13: {  	s17 =	simm.s32 $0x9C40;
	s12 =	sadd.s32 $0xC80, s12;
	s15 =	sadd.s32 $0xC80, s15  }
.LBB2_1:
0x14: {  	[tilespmem:s17], [sflag:$0x1] =	stream.linear.gather [hbm4b:s7+s2], $0x6400, $0x38;
	[tilespmem:$0x1C840] =	vst v63  }
0x15: {  	_ =	swait.ge [sflag:s18], $0x6400  }
0x16: {  	[sflag:s18] =	ssyncset.done $0x0  }
0x17: {  	[sflag:s18] =	ssyncadd.s32 $0xFFFF9C00  }
0x18: {  	[spmem:s9] =	stream.linear.scatter [tilespmem:s17], [sflag:$0x1], $0x6400, $0x38;
	[tilespmem:$0x1C840] =	vst v63  }
0x19: {  	_ =	swait.ge [sflag:s18], $0x6400  }
0x1a: {  	[sflag:s18] =	ssyncset.done $0x0  }
0x1b: {  	[sflag:s18] =	ssyncadd.s32 $0xFFFF9C00  }
0x1c: {  	[spmem:s10] =	stream.linear.scatter [tilespmem:s17], [sflag:$0x1], $0x6400, $0x38;
	[tilespmem:$0x1C840] =	vst v63  }
0x1d: {  	_ =	swait.ge [sflag:s18], $0x6400  }
0x1e: {  	[sflag:s18] =	ssyncset.done $0x0  }
0x1f: {  	[sflag:s18] =	ssyncadd.s32 $0xFFFF9C00  }
0x20: {  	s24 =	simm.s32 $0x0;
	[bflag:$0x0] =	sbarrier.arrive $0xFFFF  }
.LBB2_2:
0x21: {  	s25 =	smul.u32 $0x7D0, s24;
	_ =	sdelay $0x1  }
0x22: {  	s25 =	sadd.s32 s8, s25  }
0x23: {  	s25 =	sshrl.u32 s25, $0x3  }
0x24: {  	s28 =	simm.s32 $0x0;
	s26 =	sadd.s32 s3, s25  }
0x25: {  	[tilespmem:s28], [sflag:$0x1] =	stream.linear.gather [hbm4b:s26+s28], $0x7D0, $0x38;
	[tilespmem:$0x1C840] =	vst v63  }
0x26: {  	_ =	swait.ge [sflag:s18], $0x7D0  }
0x27: {  	[sflag:s18] =	ssyncset.done $0x0  }
0x28: {  	s25 =	sadd.s32 s4, s25;
	[sflag:s18] =	ssyncadd.s32 $0xFFFFF830  }
0x29: {  	[tilespmem:s19], [sflag:$0x1] =	stream.linear.gather [hbm4b:s25+s28], $0x7D0, $0x38;
	[tilespmem:$0x1C840] =	vst v63  }
0x2a: {  	_ =	swait.ge [sflag:s18], $0x7D0  }
0x2b: {  	[sflag:s18] =	ssyncset.done $0x0  }
0x2c: {  	s25 =	simm.s32 $0x0;
	[sflag:s18] =	ssyncadd.s32 $0xFFFFF830  }
0x2d: {  	v2 =	vld [tilespmem:s25+$0x7D0];
	_ =	sdelay $0x1  }
0x2e: {  	v3 =	vld [tilespmem:s25+$0x0]  }
0x2f: {  	s26 =	simm.s32 $0x40  }
.LBB2_3:
0x30: {  	p0 =	sne.s32 s26, $0x1F00  }
.Ltmp0:
0x31: {  	s28 =	sshra.s32 s26, $0x2;
	s26 =	sadd.s32 $0x40, s26;
	vm0 =	vge.s32 v2, v0;
	vm1 =	vlt.s32 v2, v1;
	(pc) =	sbr.rel @p0 .LBB2_3-.Ltmp0, $4  }
0x32: {  	v4 =	vsub.s32 v2, v0;
	vm0 =	vmand vm0, vm1;
	v2 =	vld [tilespmem:s28+$0x7D0]  }
0x33: {  	v5 =	vnsel vm0, $0xFFFFFFFF, v3;
	v3 =	vld [tilespmem:s28+$0x0];
	v4 =	vnsel vm0, $0xFFFFFFFF, v4  }
0x34: {  	[tilespmem:s25+$0x1770] =	vst v4  }
0x35: {  	[tilespmem:s25+$0xFA0] =	vst v5;
	s25 =	smov.u32 s28  }
0x36: {  	_ = 	snop  }
0x37: {  	vm0 =	vge.s32 v2, v0;
	vm1 =	vlt.s32 v2, v1  }
0x38: {  	v2 =	vsub.s32 v2, v0;
	vm0 =	vmand vm0, vm1  }
0x39: {  	v2 =	vnsel vm0, $0xFFFFFFFF, v2  }
0x3a: {  	v3 =	vnsel vm0, $0xFFFFFFFF, v3;
	[tilespmem:s25+$0x1770] =	vst v2  }
0x3b: {  	[tilespmem:s25+$0xFA0] =	vst v3;
	(ifvalue) =	ssetifvalue $0xFFFFFFFF  }
0x3c: {  	(ifvalue) =	ssetifvalue $0xFFFFFFFF  }
0x3d: {  	[tilespmem:s21], [sflag:$0x1] =	stream.indirect.gather [hbm4b:s5+s19], $0x10, s20, s19, $0x40b8;
	[tilespmem:$0x1C840] =	vst v63  }
0x3e: {  	s24 =	sadd.s32 $0x1, s24;
	_ =	swait.ge [sflag:s18], $0x7D00  }
0x3f: {  	p0 =	sne.s32 s24, $0xC8;
	[sflag:s18] =	ssyncset.done $0x0  }
.Ltmp1:
0x40: {  	[sflag:s18] =	ssyncadd.s32 $0xFFFF8300;
	(ifvalue) =	ssetifvalue $0xFFFFFFFF;
	(pc) =	sbr.rel @p0 .LBB2_2-.Ltmp1, $4  }
0x41: {  	[spmem:s1] =	stream.indirect.scatter.add.f32 [tilespmem:s21], [sflag:$0x1], $0x10, s22, s19, $0x40b8;
	[tilespmem:$0x1C840] =	vst v63  }
0x42: {  	_ =	swait.ge [sflag:s18], $0x7D00  }
0x43: {  	[sflag:s18] =	ssyncset.done $0x0  }
0x44: {  	[sflag:s18] =	ssyncadd.s32 $0xFFFF8300  }
0x45: {  	[bflag:$0x0] =	sbarrier.arrive $0xFFFF  }
0x46: {  	[tilespmem:s17], [sflag:$0x1] =	stream.linear.gather [spmem:s9], $0x6400, $0x38;
	[tilespmem:$0x1C840] =	vst v63  }
0x47: {  	_ =	swait.ge [sflag:s18], $0x6400  }
0x48: {  	[sflag:s18] =	ssyncset.done $0x0  }
0x49: {  	s24 =	simm.s32 $0x0;
	[sflag:s18] =	ssyncadd.s32 $0xFFFF9C00  }
0x4a: {  	[hbm4b:s11+s24] =	stream.linear.scatter [tilespmem:s17], [sflag:$0x1], $0x6400, $0x38;
	[tilespmem:$0x1C840] =	vst v63  }
0x4b: {  	_ =	swait.ge [sflag:s18], $0x6400  }
0x4c: {  	[sflag:s18] =	ssyncset.done $0x0  }
0x4d: {  	[sflag:s18] =	ssyncadd.s32 $0xFFFF9C00  }
0x4e: {  	[tilespmem:s17], [sflag:$0x1] =	stream.linear.gather [spmem:s10], $0x6400, $0x38;
	[tilespmem:$0x1C840] =	vst v63  }
0x4f: {  	_ =	swait.ge [sflag:s18], $0x6400  }
0x50: {  	[sflag:s18] =	ssyncset.done $0x0  }
0x51: {  	[sflag:s18] =	ssyncadd.s32 $0xFFFF9C00  }
0x52: {  	[hbm4b:s12+s24] =	stream.linear.scatter [tilespmem:s17], [sflag:$0x1], $0x6400, $0x38;
	[tilespmem:$0x1C840] =	vst v63  }
0x53: {  	_ =	swait.ge [sflag:s18], $0x6400  }
0x54: {  	[sflag:s18] =	ssyncset.done $0x0  }
0x55: {  	[sflag:s18] =	ssyncadd.s32 $0xFFFF9C00  }
0x56: {  	[tilespmem:s17], [sflag:$0x1] =	stream.linear.gather [hbm4b:s7+s24], $0x6400, $0x38;
	[tilespmem:$0x1C840] =	vst v63  }
0x57: {  	_ =	swait.ge [sflag:s18], $0x6400  }
0x58: {  	[sflag:s18] =	ssyncset.done $0x0  }
0x59: {  	[sflag:s18] =	ssyncadd.s32 $0xFFFF9C00  }
0x5a: {  	[spmem:s9] =	stream.linear.scatter [tilespmem:s17], [sflag:$0x1], $0x6400, $0x38;
	[tilespmem:$0x1C840] =	vst v63  }
0x5b: {  	_ =	swait.ge [sflag:s18], $0x6400  }
0x5c: {  	[sflag:s18] =	ssyncset.done $0x0  }
0x5d: {  	[sflag:s18] =	ssyncadd.s32 $0xFFFF9C00  }
0x5e: {  	[spmem:s10] =	stream.linear.scatter [tilespmem:s17], [sflag:$0x1], $0x6400, $0x38;
	[tilespmem:$0x1C840] =	vst v63  }
0x5f: {  	_ =	swait.ge [sflag:s18], $0x6400  }
0x60: {  	[sflag:s18] =	ssyncset.done $0x0  }
0x61: {  	[sflag:s18] =	ssyncadd.s32 $0xFFFF9C00  }
0x62: {  	s25 =	simm.s32 $0x0;
	[bflag:$0x0] =	sbarrier.arrive $0xFFFF  }
.LBB2_6:
0x63: {  	s26 =	smul.u32 $0x7D0, s25;
	_ =	sdelay $0x1  }
0x64: {  	s26 =	sadd.s32 s8, s26  }
0x65: {  	s26 =	sshrl.u32 s26, $0x3  }
0x66: {  	s28 =	sadd.s32 s3, s26  }
0x67: {  	[tilespmem:s24], [sflag:$0x1] =	stream.linear.gather [hbm4b:s28+s24], $0x7D0, $0x38;
	[tilespmem:$0x1C840] =	vst v63  }
0x68: {  	_ =	swait.ge [sflag:s18], $0x7D0  }
0x69: {  	[sflag:s18] =	ssyncset.done $0x0  }
0x6a: {  	s26 =	sadd.s32 s4, s26;
	[sflag:s18] =	ssyncadd.s32 $0xFFFFF830  }
0x6b: {  	[tilespmem:s19], [sflag:$0x1] =	stream.linear.gather [hbm4b:s26+s24], $0x7D0, $0x38;
	[tilespmem:$0x1C840] =	vst v63  }
0x6c: {  	_ =	swait.ge [sflag:s18], $0x7D0  }
0x6d: {  	[sflag:s18] =	ssyncset.done $0x0  }
0x6e: {  	s26 =	simm.s32 $0x0;
	[sflag:s18] =	ssyncadd.s32 $0xFFFFF830  }
0x6f: {  	v2 =	vld [tilespmem:s26+$0x7D0];
	_ =	sdelay $0x1  }
0x70: {  	v3 =	vld [tilespmem:s26+$0x0]  }
0x71: {  	s28 =	simm.s32 $0x40  }
.LBB2_7:
0x72: {  	p0 =	sne.s32 s28, $0x1F00  }
.Ltmp2:
0x73: {  	s29 =	sshra.s32 s28, $0x2;
	s28 =	sadd.s32 $0x40, s28;
	vm0 =	vge.s32 v2, v0;
	vm1 =	vlt.s32 v2, v1;
	(pc) =	sbr.rel @p0 .LBB2_7-.Ltmp2, $4  }
0x74: {  	v4 =	vsub.s32 v2, v0;
	vm0 =	vmand vm0, vm1;
	v2 =	vld [tilespmem:s29+$0x7D0]  }
0x75: {  	v5 =	vnsel vm0, $0xFFFFFFFF, v3;
	v3 =	vld [tilespmem:s29+$0x0];
	v4 =	vnsel vm0, $0xFFFFFFFF, v4  }
0x76: {  	[tilespmem:s26+$0x1770] =	vst v4  }
0x77: {  	[tilespmem:s26+$0xFA0] =	vst v5;
	s26 =	smov.u32 s29  }
0x78: {  	_ = 	snop  }
0x79: {  	vm0 =	vge.s32 v2, v0;
	vm1 =	vlt.s32 v2, v1  }
0x7a: {  	v2 =	vsub.s32 v2, v0;
	vm0 =	vmand vm0, vm1  }
0x7b: {  	v2 =	vnsel vm0, $0xFFFFFFFF, v2  }
0x7c: {  	v3 =	vnsel vm0, $0xFFFFFFFF, v3;
	[tilespmem:s26+$0x1770] =	vst v2  }
0x7d: {  	[tilespmem:s26+$0xFA0] =	vst v3;
	(ifvalue) =	ssetifvalue $0xFFFFFFFF  }
0x7e: {  	(ifvalue) =	ssetifvalue $0xFFFFFFFF  }
0x7f: {  	[tilespmem:s21], [sflag:$0x1] =	stream.indirect.gather [hbm4b:s13+s19], $0x10, s20, s19, $0x40b8;
	[tilespmem:$0x1C840] =	vst v63  }
0x80: {  	s25 =	sadd.s32 $0x1, s25;
	_ =	swait.ge [sflag:s18], $0x7D00  }
0x81: {  	p0 =	sne.s32 s25, $0xC8;
	[sflag:s18] =	ssyncset.done $0x0  }
.Ltmp3:
0x82: {  	[sflag:s18] =	ssyncadd.s32 $0xFFFF8300;
	(ifvalue) =	ssetifvalue $0xFFFFFFFF;
	(pc) =	sbr.rel @p0 .LBB2_6-.Ltmp3, $4  }
0x83: {  	[spmem:s1] =	stream.indirect.scatter.add.f32 [tilespmem:s21], [sflag:$0x1], $0x10, s22, s19, $0x40b8;
	[tilespmem:$0x1C840] =	vst v63  }
0x84: {  	_ =	swait.ge [sflag:s18], $0x7D00  }
0x85: {  	[sflag:s18] =	ssyncset.done $0x0  }
0x86: {  	[sflag:s18] =	ssyncadd.s32 $0xFFFF8300  }
0x87: {  	[bflag:$0x0] =	sbarrier.arrive $0xFFFF  }
0x88: {  	[tilespmem:s17], [sflag:$0x1] =	stream.linear.gather [spmem:s9], $0x6400, $0x38;
	[tilespmem:$0x1C840] =	vst v63  }
0x89: {  	_ =	swait.ge [sflag:s18], $0x6400  }
0x8a: {  	[sflag:s18] =	ssyncset.done $0x0  }
0x8b: {  	[sflag:s18] =	ssyncadd.s32 $0xFFFF9C00  }
0x8c: {  	[hbm4b:s14+s2] =	stream.linear.scatter [tilespmem:s17], [sflag:$0x1], $0x6400, $0x38;
	[tilespmem:$0x1C840] =	vst v63  }
0x8d: {  	_ =	swait.ge [sflag:s18], $0x6400  }
0x8e: {  	[sflag:s18] =	ssyncset.done $0x0  }
0x8f: {  	[sflag:s18] =	ssyncadd.s32 $0xFFFF9C00  }
0x90: {  	[tilespmem:s17], [sflag:$0x1] =	stream.linear.gather [spmem:s10], $0x6400, $0x38;
	[tilespmem:$0x1C840] =	vst v63  }
0x91: {  	s23 =	sadd.s32 $0x1, s23;
	_ =	swait.ge [sflag:s18], $0x6400  }
0x92: {  	p0 =	sne.s32 s23, s16;
	[sflag:s18] =	ssyncset.done $0x0  }
.Ltmp4:
0x93: {  	[sflag:s18] =	ssyncadd.s32 $0xFFFF9C00;
	(pc) =	sbr.rel @p0 .LBB2_1-.Ltmp4, $4  }
0x94: {  	[hbm4b:s15+s2] =	stream.linear.scatter [tilespmem:s17], [sflag:$0x1], $0x6400, $0x38;
	[tilespmem:$0x1C840] =	vst v63  }
0x95: {  	_ =	swait.ge [sflag:s18], $0x6400  }
0x96: {  	[sflag:s18] =	ssyncset.done $0x0  }
0x97: {  	[sflag:s18] =	ssyncadd.s32 $0xFFFF9C00  }
0x98: {  	_ =	sfence.sel $0x180000  }
0x99: {  	[bflag:$0x0] =	sbarrier.arrive $0xFFFF  }
0x9a: {  	p0 =	sne.s32 s6, $0x0;
	_ =	strace $0x9000004D  }
0x9b: {  	s0 =	sadd.s32 @!p0 $0x100000, s0;
	[bflag:$0x2] =	sbarrier.arrive $0xFFFF  }
0x9c: {  	[sflag:s0] =	ssyncadd.tile.s32 @!p0 $0x1;
	_ =	shalt  }
.Lfunc_end2:
_tile_overlayer_lowered:
.L_overlay_start_2:
0x9d: {  	(tag) =	ssettag $0x2  }
0x9e: {  	s0 =	rddreg [dreg:$0x0];
	s2 =	stileid.u32  }
0x9f: {  	s1 =	rddreg [dreg:$0x1];
	p0 =	sne.s32 s2, $0x0  }
0xa0: {  	s3 =	rddreg [dreg:$0x2];
	[bflag:$0x3] =	sbarrier.arrive $0xFFFF;
	s2 =	simm.s32 @!p0 $0x1C01  }
0xa1: {  	[timem:s3], [sflag:s2] =	dma.local @!p0 [hbm:s0], s1  }
0xa2: {  	s0 =	simm.s32 @!p0 $0x1  }
0xa3: {  	_ =	swait.ge @!p0 [sflag:s0], s1  }
0xa4: {  	s1 =	ssub.s32 @!p0 $0x0, s1;
	[sflag:s0] =	ssyncset.done @!p0 $0x0  }
0xa5: {  	[sflag:s0] =	ssyncadd.s32 @!p0 s1  }
0xa6: {  	[bflag:$0x3] =	sbarrier.arrive $0xFFFF  }
0xa7: {  	_ =	shalt  }

// kernel: kernel.8.cloned.1.call-start
scs
__scs_entry_jumppad:
0x0: {  	(pc) =	sbr.rel $0x88, $3  }
0x1: {  	(tag) =	ssettag $0x0;
	lr =	simm.s32 $0x1  }
0x2: {  	[smem:$0x3F98] =	sst lr;
	_ =	strace $0xD0000000  }
0x3: {  	_ = 	snop  }
0x4: {  	_ = 	snop  }
0x5: {  	_ = 	snop  }
0x6: {  	_ = 	snop  }
0x7: {  	_ = 	snop  }
__scs_overlays_trampoline_lowered:
0x8: {  	[smem:$0x3FA7] =	sst s0  }
0x9: {  	[smem:$0x3FA8] =	sst s1  }
0xa: {  	[smem:$0x3FA9] =	sst s2  }
0xb: {  	[smem:$0x3FAA] =	sst s3  }
0xc: {  	[smem:$0x3FAB] =	sst s4  }
0xd: {  	[smem:$0x3FAC] =	sst s5  }
0xe: {  	[smem:$0x3FAD] =	sst s6  }
0xf: {  	[smem:$0x3FAE] =	sst s7  }
0x10: {  	[smem:$0x3FAF] =	sst s8  }
0x11: {  	[smem:$0x3FB0] =	sst s9;
	s0 =	simm.s32 @!p0 $0x0  }
0x12: {  	s1 =	sld [smem:$0x3F96];
	s0 =	simm.s32 @p0 $0x1  }
0x13: {  	[smem:$0x3FB1] =	sst s0;
	s0 =	simm.s32 @!p1 $0x0  }
0x14: {  	s2 =	sld [smem:$0x3F95];
	s0 =	simm.s32 @p1 $0x1  }
0x15: {  	[smem:$0x3FB2] =	sst s0;
	s0 =	simm.s32 @!p2 $0x0  }
0x16: {  	s3 =	sld [smem:$0x3FDB];
	s0 =	simm.s32 @p2 $0x1  }
0x17: {  	s4 =	simm.s32 $0x1BF5;
	[smem:$0x3FB4] =	sst s0  }
0x18: {  	s0 =	sld [smem:$0x3F97];
	_ =	swait.ge [sflag:s4], $0x0  }
0x19: {  	s7 =	sld [smem:$0x3F98]  }
0x1a: {  	s8 =	sadd.s32 $0xFFFFE003, lr  }
0x1b: {  	s9 =	sadd.s32 $0xFFFFFEF7, lr;
	s5 =	simm.s32 $0xFFFFFFFF;
	p2 =	slt.u32 s8, $0xFFFFF086  }
0x1c: {  	p1 =	slt.u32 s9, $0xF7A;
	s5 =	simm.s32 @!p2 $0x0  }
0x1d: {  	s5 =	simm.s32 @p1 $0x1;
	p0 =	seq.s32 s7, s2  }
0x1e: {  	s7 =	smul.u32 @!p0 $0xF7A, s2;
	p2 =	seq.s32 @!p0 s5, $0x0  }
0x1f: {  	s9 =	smul.u32 $0xF7A, s1;
	s8 =	simm.s32 @!p0 $0x1BF5;
	p2 =	por !p2, p0  }
0x20: {  	[sflag:s8] =	ssyncset.s32 @!p0 $0xFFFFF086;
	s6 =	sadd.s32 @!p0 s3, s7;
	s7 =	simm.s32 @!p0 $0x108  }
0x21: {  	s3 =	sadd.s32 s3, s9;
	s6 =	sadd.s32 @!p0 $0x88, s6;
	s7 =	simm.s32 @p2 $0x1082  }
0x22: {  	[simem:s7], [sflag:s8] =	dma.local @!p0 [hbm:s6], $0xF7A  }
0x23: {  	s9 =	sor.u32 $0xD0000000, s2;
	s6 =	simm.s32 $0x108;
	_ =	swait.ge @!p0 [sflag:s8], $0x0  }
0x24: {  	s3 =	sadd.s32 $0x88, s3;
	s6 =	simm.s32 @!p1 $0x1082;
	[sflag:s4] =	ssyncset.s32 $0xFFFFF086  }
0x25: {  	[simem:s6], [sflag:s4] =	dma.local [hbm:s3], $0xF7A  }
0x26: {  	[smem:$0x3F98] =	sst s1;
	(tag) =	ssettag s2;
	_ =	strace s9  }
0x27: {  	s1 =	sld [smem:$0x3FA8]  }
0x28: {  	s2 =	sld [smem:$0x3FA9]  }
0x29: {  	s4 =	sld [smem:$0x3FAB]  }
0x2a: {  	p0 =	seq.s32 s5, $0x0;
	s5 =	sld [smem:$0x3FAC]  }
0x2b: {  	s6 =	sld [smem:$0x3FAD]  }
0x2c: {  	s7 =	sld [smem:$0x3FAE]  }
0x2d: {  	s3 =	simm.s32 $0x108;
	s8 =	sld [smem:$0x3FAF]  }
0x2e: {  	s3 =	simm.s32 @!p0 $0x1082;
	s9 =	sld [smem:$0x3FB0]  }
0x2f: {  	lr =	sadd.s32 s0, s3;
	s0 =	sld [smem:$0x3FA7]  }
0x30: {  	s3 =	sld [smem:$0x3FAA]  }
0x31: {  	[smem:$0x3FB3] =	sst s10  }
0x32: {  	s10 =	sld [smem:$0x3FB1];
	_ =	sdelay $0x3  }
0x33: {  	p0 =	seq.s32 s10, $0x1;
	s10 =	sld [smem:$0x3FB3];
	_ =	sdelay $0x3  }
0x34: {  	[smem:$0x3FB3] =	sst s10  }
0x35: {  	s10 =	sld [smem:$0x3FB2];
	_ =	sdelay $0x3  }
0x36: {  	p1 =	seq.s32 s10, $0x1;
	s10 =	sld [smem:$0x3FB3];
	_ =	sdelay $0x3  }
0x37: {  	[smem:$0x3FB3] =	sst s10  }
0x38: {  	s10 =	sld [smem:$0x3FB4]  }
0x39: {  	_ = 	snop;
	(pc) =	sbr.ind lr, $3  }
0x3a: {  	_ = 	snop  }
0x3b: {  	_ = 	snop  }
0x3c: {  	p2 =	seq.s32 s10, $0x1;
	s10 =	sld [smem:$0x3FB3]  }
0x3d: {  	_ =	shalt  }
0x3e: {  	_ =	shalt  }
0x3f: {  	_ =	shalt  }
0x40: {  	_ =	shalt  }
0x41: {  	_ =	shalt  }
0x42: {  	_ =	shalt  }
0x43: {  	_ =	shalt  }
0x44: {  	_ =	shalt  }
0x45: {  	_ =	shalt  }
0x46: {  	_ =	shalt  }
0x47: {  	_ =	shalt  }
0x48: {  	_ =	shalt  }
0x49: {  	_ =	shalt  }
0x4a: {  	_ =	shalt  }
0x4b: {  	_ =	shalt  }
0x4c: {  	_ =	shalt  }
0x4d: {  	_ =	shalt  }
0x4e: {  	_ =	shalt  }
0x4f: {  	_ =	shalt  }
0x50: {  	_ =	shalt  }
0x51: {  	_ =	shalt  }
0x52: {  	_ =	shalt  }
0x53: {  	_ =	shalt  }
0x54: {  	_ =	shalt  }
0x55: {  	_ =	shalt  }
0x56: {  	_ =	shalt  }
0x57: {  	_ =	shalt  }
0x58: {  	_ =	shalt  }
0x59: {  	_ =	shalt  }
0x5a: {  	_ =	shalt  }
0x5b: {  	_ =	shalt  }
0x5c: {  	_ =	shalt  }
0x5d: {  	_ =	shalt  }
0x5e: {  	_ =	shalt  }
0x5f: {  	_ =	shalt  }
0x60: {  	_ =	shalt  }
0x61: {  	_ =	shalt  }
0x62: {  	_ =	shalt  }
0x63: {  	_ =	shalt  }
0x64: {  	_ =	shalt  }
0x65: {  	_ =	shalt  }
0x66: {  	_ =	shalt  }
0x67: {  	_ =	shalt  }
0x68: {  	_ =	shalt  }
0x69: {  	_ =	shalt  }
0x6a: {  	_ =	shalt  }
0x6b: {  	_ =	shalt  }
0x6c: {  	_ =	shalt  }
0x6d: {  	_ =	shalt  }
0x6e: {  	_ =	shalt  }
0x6f: {  	_ =	shalt  }
0x70: {  	_ =	shalt  }
0x71: {  	_ =	shalt  }
0x72: {  	_ =	shalt  }
0x73: {  	_ =	shalt  }
0x74: {  	_ =	shalt  }
0x75: {  	_ =	shalt  }
0x76: {  	_ =	shalt  }
0x77: {  	_ =	shalt  }
0x78: {  	_ =	shalt  }
0x79: {  	_ =	shalt  }
0x7a: {  	_ =	shalt  }
0x7b: {  	_ =	shalt  }
0x7c: {  	_ =	shalt  }
0x7d: {  	_ =	shalt  }
0x7e: {  	_ =	shalt  }
0x7f: {  	_ =	shalt  }
0x80: {  	_ =	shalt  }
0x81: {  	_ =	shalt  }
0x82: {  	_ =	shalt  }
0x83: {  	_ =	shalt  }
0x84: {  	_ =	shalt  }
0x85: {  	_ =	shalt  }
0x86: {  	_ =	shalt  }
0x87: {  	_ =	shalt  }
.Lfunc_end0:
.L_simem_size_0:
called_computation_lowered:
.L_overlay_start_0:
0x88: {  	s2 =	sld [smem:$0x3FD9]  }
0x89: {  	s3 =	sld [smem:$0x3FFE];
	_ =	sdelay $0x1  }
0x8a: {  	s1 =	srdreg.scid  }
0x8b: {  	s0 =	sand.u32 $0x1, s1  }
0x8c: {  	s16 =	sshll.u32 s0, $0xA;
	s2 =	sadd.s32 s3, s2  }
0x8d: {  	s2 =	sadd.s32 s2, s16  }
0x8e: {  	[smem:$0x3FBF] =	sst s2  }
0x8f: {  	_ = 	snop  }
0x90: {  	(tm) =	ssettm $0x1  }
0x91: {  	s17 =	sld [smem:$0x3FFB];
	_ =	sdelay $0x3  }
0x92: {  	_ =	strace s17  }
0x93: {  	s2 =	sld [smem:$0x3FFC];
	_ =	sdelay $0x3  }
0x94: {  	_ =	strace s2  }
0x95: {  	s2 =	sld [smem:$0x3FFD];
	_ =	sdelay $0x3  }
0x96: {  	_ =	strace s2  }
0x97: {  	_ =	strace $0x8FFFFFFF  }
0x98: {  	s18 =	sld [smem:$0x3FDB];
	_ =	sdelay $0x1  }
0x99: {  	s19 =	simm.s32 $_scs_section_size  }
0x9a: {  	s4 =	simm.s32 $_size__tile_overlayer_lowered;
	s5 =	simm.s32 $_tile_overlayer_lowered  }
0x9b: {  	s22 =	simm.s32 $0x1BFF;
	s21 =	sshll.u32 s5, $0x1;
	s2 =	sadd.s32 s19, s18  }
0x9c: {  	s6 =	simm.s32 $0x0;
	s20 =	sshll.u32 s4, $0x1;
	s4 =	sadd.s32 s21, s2  }
0x9d: {  	[timem:s6], [sflag:s22] =	dma.local [hbm:s4], s20  }
0x9e: {  	_ =	swait.ge [sflag:s22], s20  }
0x9f: {  	s3 =	ssub.s32 $0x0, s20;
	[sflag:s22] =	ssyncset.done $0x0  }
0xa0: {  	[sflag:s22] =	ssyncadd.s32 s3;
	_ =	sdelay $0x1  }
0xa1: {  	s23 =	simm.s32 $0x1B8B  }
0xa2: {  	_ =	swait.ge [sflag:s23], $0x1  }
0xa3: {  	[sflag:s23] =	ssyncset.done $0x0  }
0xa4: {  	s25 =	simm.s32 $0x1B8E;
	s24 =	sld [smem:$0x3FFE];
	[sflag:s23] =	ssyncadd.s32 $0xFFFFFFFF  }
0xa5: {  	s26 =	simm.s32 $execute0_lowered;
	[smem:$0x3FD2] =	sst s25  }
0xa6: {  	s4 =	sshll.u32 s26, $0x1;
	_ =	strace $0x80000046;
	[dreg:$0x1] =	wrdreg $0xFFFFFFFF  }
0xa7: {  	s28 =	simm.s32 $_size_execute0_lowered;
	s2 =	sadd.s32 s2, s4;
	[dreg:$0x0] =	wrdreg $0x0  }
0xa8: {  	s4 =	sshll.u32 s28, $0x1;
	[dreg:$0x2] =	wrdreg s2  }
0xa9: {  	[dreg:$0x3] =	wrdreg s4  }
0xaa: {  	[dreg:$0x4] =	wrdreg $0xC0  }
0xab: {  	_ =	task [dreg:s6], $0x5FFFF  }
0xac: {  	[dreg:$0x1] =	wrdreg $0xFFFFFFFF  }
0xad: {  	[dreg:$0x0] =	wrdreg $0x60  }
0xae: {  	[dreg:$0x2] =	wrdreg s24  }
0xaf: {  	[dreg:$0x3] =	wrdreg $0x28A00  }
0xb0: {  	[dreg:$0x4] =	wrdreg $0x9  }
0xb1: {  	_ =	task.clear_ibuf [dreg:s6], $0x5FFFF;
	_ =	strace $0x90000046  }
0xb2: {  	s29 =	simm.s32 $0x9;
	_ =	strace $0x80000048  }
0xb3: {  	_ =	swait.ge [sflag:s29], $0x1  }
0xb4: {  	[sflag:s29] =	ssyncadd.s32 $0xFFFFFFFF  }
0xb5: {  	_ =	strace $0x90000048  }
0xb6: {  	_ =	sfence  }
0xb7: {  	s30 =	sld [smem:$0x0];
	_ =	sdelay $0x2  }
0xb8: {  	s31 =	sshll.u32 s1, $0xD;
	s1 =	sshrl.u32 s1, $0x2  }
0xb9: {  	s3 =	sand.u32 $0x4000, s31;
	s1 =	sadd.s32 s1, s30  }
0xba: {  	s0 =	sor.u32 s3, s0;
	s1 =	sshll.u32 s1, $0x11  }
0xbb: {  	s0 =	sor.u32 s1, s0  }
0xbc: {  	s0 =	sadd.s32 $0x8F2B, s0  }
0xbd: {  	[sflag:s0] =	ssyncadd.remote.s32 $0x1  }
0xbe: {  	_ =	sfence.sel $0xFFFF  }
0xbf: {  	[dreg:$0x0] =	wrdreg $0xFFFFFFFF;
	(pc) =	sbr.abs _section_cstart, $3  }
0xc0: {  	[dreg:$0x1] =	wrdreg $0xFFFFFFFF  }
0xc1: {  	_ =	task.clear_ibuf [dreg:s6], $0x2FFFF;
	_ =	strace $0x9FFFFFFF  }
0xc2: {  	(tm) =	ssettm $0x7FFFFFFF  }
0xc3: {  	_ =	shalt  }
tec
execute0_lowered:
.L_overlay_start_1:
0x0: {  	(tag) =	ssettag $0x1  }
0x1: {  	s1 =	srdreg.scid  }
0x2: {  	s0 =	stileid.u32;
	s6 =	rddreg [dreg:$0x0]  }
0x3: {  	s2 =	rddreg [dreg:$0x1];
	s3 =	simm.s32 $0x0;
	s12 =	simm.s32 $0x7D0  }
0x4: {  	s7 =	sand.u32 $0x1, s1;
	s4 =	smul.u32 $0x61A80, s0;
	s1 =	rddreg [dreg:$0x2]  }
0x5: {  	s13 =	simm.s32 $0x0;
	[smem:$0x7FF] =	sst s3;
	s10 =	smul.u32 $0x6400, s0  }
0x6: {  	s5 =	smul.u32 $0x30D40, s7;
	s8 =	sshll.u32 s7, $0x4;
	s7 =	ssub.s32 $0x2, s7  }
0x7: {  	_ =	strace $0x80000047;
	s30 =	sor.u32 s0, s8;
	s31 =	sshrl.u32 s7, $0x1  }
0x8: {  	s10 =	sshrl.u32 s10, $0x2;
	s4 =	sadd.s32 s5, s4;
	s8 =	smul.u32 $0x320, s30  }
0x9: {  	s5 =	sadd.s32 $0x188C00, s6;
	s11 =	ssub.s32 s7, s31;
	s4 =	sshrl.u32 s4, $0x3  }
0xa: {  	s9 =	sadd.s32 s4, s6;
	s4 =	sadd.s32 $0x189000, s6;
	s8 =	sadd.s32 s8, s6  }
0xb: {  	s6 =	sadd.s32 s10, s2;
	s10 =	simm.s32 $0xFA0;
	s7 =	sadd.s32 $0x189200, s8  }
0xc: {  	s8 =	smax.u32 s11, $0x1;
	s9 =	sadd.s32 $0x2000, s9;
	s11 =	simm.s32 $0x1  }
.LBB2_1:
0xd: {  	[tilespmem:s10], [sflag:$0x1] =	stream.linear.gather [hbm4b:s5+s3], $0x1900, $0x38;
	[tilespmem:$0x41A0] =	vst v63  }
0xe: {  	_ =	swait.ge [sflag:s11], $0x1900  }
0xf: {  	[sflag:s11] =	ssyncset.done $0x0  }
0x10: {  	[sflag:s11] =	ssyncadd.s32 $0xFFFFE700  }
0x11: {  	[spmem:s6] =	stream.linear.scatter [tilespmem:s10], [sflag:$0x1], $0x1900, $0x38;
	[tilespmem:$0x41A0] =	vst v63  }
0x12: {  	_ =	swait.ge [sflag:s11], $0x1900  }
0x13: {  	[sflag:s11] =	ssyncset.done $0x0  }
0x14: {  	[sflag:s11] =	ssyncadd.s32 $0xFFFFE700  }
0x15: {  	[bflag:$0x0] =	sbarrier.arrive $0xFFFF  }
0x16: {  	[tilespmem:s12], [sflag:$0x1] =	stream.linear.gather [hbm4b:s4+s3], $0x7D0, $0x38;
	[tilespmem:$0x41A0] =	vst v63  }
0x17: {  	_ =	swait.ge [sflag:s11], $0x7D0  }
0x18: {  	[sflag:s11] =	ssyncset.done $0x0  }
0x19: {  	s14 =	sadd.s32 $0x0, s9;
	[sflag:s11] =	ssyncadd.s32 $0xFFFFF830  }
0x1a: {  	[tilespmem:s3], [sflag:$0x1] =	stream.linear.gather [hbm4b:s14+s3], $0x7D0, $0x38;
	[tilespmem:$0x41A0] =	vst v63  }
0x1b: {  	_ =	swait.ge [sflag:s11], $0x7D0  }
0x1c: {  	[sflag:s11] =	ssyncset.done $0x0  }
0x1d: {  	[sflag:s11] =	ssyncadd.s32 $0xFFFFF830  }
0x1e: {  	[spmem:s2] =	stream.indirect.scatter.add.f32 [tilespmem:s12], [sflag:$0x1], $0x1, s3, s12, $0xb8;
	[tilespmem:$0x41A0] =	vst v63  }
0x1f: {  	_ =	swait.ge [sflag:s11], $0x7D0  }
0x20: {  	s15 =	simm.s32 $0x1F4;
	s14 =	simm.s32 $0xFA;
	[sflag:s11] =	ssyncset.done $0x0  }
.LBB2_2:
0x21: {  	s16 =	sadd.s32 s14, s9  }
0x22: {  	[sflag:s11] =	ssyncadd.s32 $0xFFFFF830;
	s14 =	smov.u32 s15;
	s17 =	sadd.s32 $0xFA, s15  }
0x23: {  	[tilespmem:s3], [sflag:$0x1] =	stream.linear.gather [hbm4b:s16+s3], $0x7D0, $0x38;
	[tilespmem:$0x41A0] =	vst v63  }
0x24: {  	p0 =	sne.s32 s15, $0x60AE;
	_ =	swait.ge [sflag:s11], $0x7D0  }
.Ltmp0:
0x25: {  	[sflag:s11] =	ssyncset.done $0x0;
	(pc) =	sbr.rel @p0 .LBB2_2-.Ltmp0, $4  }
0x26: {  	[sflag:s11] =	ssyncadd.s32 $0xFFFFF830  }
0x27: {  	[spmem:s2] =	stream.indirect.scatter.add.f32 [tilespmem:s12], [sflag:$0x1], $0x1, s3, s12, $0xb8;
	[tilespmem:$0x41A0] =	vst v63  }
0x28: {  	_ =	swait.ge [sflag:s11], $0x7D0  }
0x29: {  	s15 =	smov.u32 s17;
	[sflag:s11] =	ssyncset.done $0x0  }
0x2a: {  	s14 =	sadd.s32 s14, s9;
	[sflag:s11] =	ssyncadd.s32 $0xFFFFF830  }
0x2b: {  	[tilespmem:s3], [sflag:$0x1] =	stream.linear.gather [hbm4b:s14+s3], $0x7D0, $0x38;
	[tilespmem:$0x41A0] =	vst v63  }
0x2c: {  	_ =	swait.ge [sflag:s11], $0x7D0  }
0x2d: {  	[sflag:s11] =	ssyncset.done $0x0  }
0x2e: {  	[sflag:s11] =	ssyncadd.s32 $0xFFFFF830  }
0x2f: {  	[spmem:s2] =	stream.indirect.scatter.add.f32 [tilespmem:s12], [sflag:$0x1], $0x1, s3, s12, $0xb8;
	[tilespmem:$0x41A0] =	vst v63  }
0x30: {  	_ =	swait.ge [sflag:s11], $0x7D0  }
0x31: {  	[sflag:s11] =	ssyncset.done $0x0  }
0x32: {  	[sflag:s11] =	ssyncadd.s32 $0xFFFFF830  }
0x33: {  	[bflag:$0x0] =	sbarrier.arrive $0xFFFF  }
0x34: {  	[tilespmem:s10], [sflag:$0x1] =	stream.linear.gather [spmem:s6], $0x1900, $0x38;
	[tilespmem:$0x41A0] =	vst v63  }
0x35: {  	s13 =	sadd.s32 $0x1, s13;
	_ =	swait.ge [sflag:s11], $0x1900  }
0x36: {  	p0 =	sne.s32 s13, s8;
	[sflag:s11] =	ssyncset.done $0x0  }
.Ltmp1:
0x37: {  	[sflag:s11] =	ssyncadd.s32 $0xFFFFE700;
	(pc) =	sbr.rel @p0 .LBB2_1-.Ltmp1, $4  }
0x38: {  	[hbm4b:s7+s3] =	stream.linear.scatter [tilespmem:s10], [sflag:$0x1], $0x1900, $0x38;
	[tilespmem:$0x41A0] =	vst v63  }
0x39: {  	_ =	swait.ge [sflag:s11], $0x1900  }
0x3a: {  	[sflag:s11] =	ssyncset.done $0x0  }
0x3b: {  	[sflag:s11] =	ssyncadd.s32 $0xFFFFE700  }
0x3c: {  	_ =	sfence.sel $0x180000  }
0x3d: {  	[bflag:$0x0] =	sbarrier.arrive $0xFFFF  }
0x3e: {  	p0 =	sne.s32 s0, $0x0;
	_ =	strace $0x90000047  }
0x3f: {  	s0 =	sadd.s32 @!p0 $0x100000, s1;
	[bflag:$0x2] =	sbarrier.arrive $0xFFFF  }
0x40: {  	[sflag:s0] =	ssyncadd.tile.s32 @!p0 $0x1;
	_ =	shalt  }
.Lfunc_end2:
_tile_overlayer_lowered:
.L_overlay_start_2:
0x41: {  	(tag) =	ssettag $0x2  }
0x42: {  	s0 =	rddreg [dreg:$0x0];
	s2 =	stileid.u32  }
0x43: {  	s1 =	rddreg [dreg:$0x1];
	p0 =	sne.s32 s2, $0x0  }
0x44: {  	s3 =	rddreg [dreg:$0x2];
	[bflag:$0x3] =	sbarrier.arrive $0xFFFF;
	s2 =	simm.s32 @!p0 $0x1C01  }
0x45: {  	[timem:s3], [sflag:s2] =	dma.local @!p0 [hbm:s0], s1  }
0x46: {  	s0 =	simm.s32 @!p0 $0x1  }
0x47: {  	_ =	swait.ge @!p0 [sflag:s0], s1  }
0x48: {  	s1 =	ssub.s32 @!p0 $0x0, s1;
	[sflag:s0] =	ssyncset.done @!p0 $0x0  }
0x49: {  	[sflag:s0] =	ssyncadd.s32 @!p0 s1  }
0x4a: {  	[bflag:$0x3] =	sbarrier.arrive $0xFFFF  }
0x4b: {  	_ =	shalt  }

</sc_bundles>
